<compile_context>
chip_gen: v7x
topology: tpu7x:2x2x1
jax: 0.10.2.dev20260603
libtpu: 0.0.44.dev20260713+nightly
codegen_flags: <defaults>
</compile_context>

<pallas_src>
import functools

import jax
import jax.numpy as jnp
from jax import lax
from jax.experimental import pallas as pl
from jax.experimental.pallas import tpu as pltpu
from jax.experimental.pallas import tpu_sc as plsc

VOCAB = 100000
SEQ_LEN = 200
EMBED_DIM = 128
BATCH = 1024

SPLITS = ((0, 128), (128, 72))
LANES = 16
NBUF = 3
NUM_WORKERS = 32
NUM_CORES = 2
BATCH_PER_W = BATCH // NUM_WORKERS
ROWS_PER_W = BATCH_PER_W * SEQ_LEN
STEADY = BATCH_PER_W - 2


def _sc_body(idx_hbm, table_hbm, pos_hbm, out_hbm, idx_v, pos_v,
             buf0, buf1, buf2, gsem0, gsem1, gsem2, ssem0, ssem1, ssem2):
    wid = lax.axis_index("s") * NUM_CORES + lax.axis_index("c")
    b_base = wid * BATCH_PER_W

    pltpu.sync_copy(idx_hbm.at[pl.ds(b_base, BATCH_PER_W), :], idx_v)
    pltpu.sync_copy(pos_hbm, pos_v)

    bufs = (buf0, buf1, buf2)
    gsems = (gsem0, gsem1, gsem2)
    ssems = (ssem0, ssem1, ssem2)

    def gather_half(seq, b, h):
        off, n = SPLITS[h]
        return (table_hbm.at[idx_v.at[seq, pl.ds(off, n)]],
                bufs[b].at[pl.ds(off, n), :],
                gsems[b])

    def start_gathers(seq, b):
        for h in range(len(SPLITS)):
            src, dst, sem = gather_half(seq, b, h)
            pltpu.async_copy(src, dst, sem)

    def wait_gather_half(seq, b, h):
        src, dst, sem = gather_half(seq, b, h)
        pltpu.make_async_copy(src, dst, sem).wait()

    def add_pos_half(b, h):
        off, n = SPLITS[h]
        buf = bufs[b]

        @pl.loop(off, off + n)
        def _rows(r):
            for j in range(EMBED_DIM // LANES):
                sl = pl.ds(j * LANES, LANES)
                plsc.addupdate(buf.at[r, sl], pos_v[r, sl])

    def start_store_half(seq, b, h):
        off, n = SPLITS[h]
        pltpu.async_copy(bufs[b].at[pl.ds(off, n), :],
                         out_hbm.at[b_base + seq, pl.ds(off, n), :], ssems[b])

    def wait_store(seq, b):
        for h in range(len(SPLITS)):
            off, n = SPLITS[h]
            pltpu.make_async_copy(bufs[b].at[pl.ds(off, n), :],
                                  out_hbm.at[b_base + seq, pl.ds(off, n), :],
                                  ssems[b]).wait()

    def slot(seq, b, nb, refill):
        wait_gather_half(seq, b, 0)
        add_pos_half(b, 0)
        start_store_half(seq, b, 0)
        if refill is not None:
            refill()
        wait_gather_half(seq, b, 1)
        add_pos_half(b, 1)
        start_store_half(seq, b, 1)

    for b in range(2):
        start_gathers(b, b)

    @pl.loop(0, STEADY, step=NBUF)
    def _ring(c):
        for b in range(NBUF):
            seq = c + b
            nb = (b + 2) % NBUF

            def refill(seq=seq, nb=nb):
                @pl.when(seq > 0)
                def _():
                    wait_store(seq - 1, nb)
                start_gathers(seq + 2, nb)

            slot(seq, b, nb, refill)

    for seq in (BATCH_PER_W - 2, BATCH_PER_W - 1):
        b = seq % NBUF
        nb = (b + 2) % NBUF

        def refill(seq=seq, nb=nb):
            wait_store(seq - 1, nb)

        slot(seq, b, nb, refill)

    wait_store(BATCH_PER_W - 1, (BATCH_PER_W - 1) % NBUF)


@jax.jit
def _embed(idx_flat, token_table, pos_table):
    mesh = plsc.VectorSubcoreMesh(core_axis_name="c", subcore_axis_name="s")
    f = functools.partial(
        pl.kernel,
        out_type=jax.ShapeDtypeStruct((BATCH, SEQ_LEN, EMBED_DIM), jnp.float32),
        mesh=mesh,
        scratch_types=[
            pltpu.VMEM((BATCH_PER_W, SEQ_LEN), jnp.int32),
            pltpu.VMEM((SEQ_LEN, EMBED_DIM), jnp.float32),
            pltpu.VMEM((SEQ_LEN, EMBED_DIM), jnp.float32),
            pltpu.VMEM((SEQ_LEN, EMBED_DIM), jnp.float32),
            pltpu.VMEM((SEQ_LEN, EMBED_DIM), jnp.float32),
            pltpu.SemaphoreType.DMA,
            pltpu.SemaphoreType.DMA,
            pltpu.SemaphoreType.DMA,
            pltpu.SemaphoreType.DMA,
            pltpu.SemaphoreType.DMA,
            pltpu.SemaphoreType.DMA,
        ],
    )(_sc_body)
    return f(idx_flat, token_table, pos_table)


def kernel(inputs, token_table, pos_table):
    return _embed(inputs.astype(jnp.int32), token_table,
                  pos_table.astype(jnp.float32))

# --- scband reference (transcript-rebuilt; emitter-appended) ---
"""Pipeline reference for scband-sig-liptext-embedding-71665824301817 (READ-ONLY COPY).

The authoritative reference and input builder live on the scoring server;
editing this copy changes nothing except your own understanding.
"""

import jax, jax.numpy as jnp
import numpy as np

VOCAB = 100000
SEQ_LEN = 200
EMBED_DIM = 128
BATCH = 1024

def setup_inputs(seed: int = 0) -> dict:
    key = jax.random.key(seed)
    k1, k2, k3 = jax.random.split(key, 3)
    inputs = jax.random.randint(k1, (BATCH, SEQ_LEN), 0, VOCAB, dtype=jnp.int64 if jax.config.jax_enable_x64 else jnp.int32)
    token_table = jax.random.normal(k2, (VOCAB, EMBED_DIM), dtype=jnp.float32) * 0.02
    pos_table = jax.random.normal(k3, (SEQ_LEN, EMBED_DIM), dtype=jnp.float32) * 0.02
    return {"inputs": inputs, "token_table": token_table, "pos_table": pos_table}

def reference(inputs, token_table, pos_table):
    # token embedding lookup: gather rows from the token table
    embedded_tokens = jnp.take(token_table, inputs, axis=0)  # [B, S, D]
    # position embedding: position_ids = arange(seq_len)[None, :]
    position_ids = jnp.expand_dims(jnp.arange(SEQ_LEN), axis=0)  # [1, S]
    embedded_positions = jnp.take(pos_table, position_ids, axis=0)  # [1, S, D]
    # sum (broadcast positions over batch)
    outputs = embedded_tokens + embedded_positions
    return outputs

if __name__ == "__main__":
    import jax
    _d = setup_inputs()
    print(jax.jit(kernel)(*tuple(_d.values())))

</pallas_src>

<mosaic_0001>
#map = affine_map<(d0, d1) -> (0, 0)>
#map1 = affine_map<(d0, d1) -> (0, 0, 0)>
module attributes {stable_mosaic.version = 14 : i64} {
  func.func @_sc_body(%arg0: i32, %arg1: i32, %arg2: memref<1024x200xi32, #tpu.memory_space<hbm>>, %arg3: memref<100000x128xf32, #tpu.memory_space<hbm>>, %arg4: memref<200x128xf32, #tpu.memory_space<hbm>>, %arg5: memref<1024x200x128xf32, #tpu.memory_space<hbm>>, %arg6: memref<32x200xi32, #tpu.memory_space<vmem>>, %arg7: memref<200x128xf32, #tpu.memory_space<vmem>>, %arg8: memref<200x128xf32, #tpu.memory_space<vmem>>, %arg9: memref<200x128xf32, #tpu.memory_space<vmem>>, %arg10: memref<200x128xf32, #tpu.memory_space<vmem>>, %arg11: memref<!tpu.dma_semaphore, #tpu.memory_space<semaphore_mem>>, %arg12: memref<!tpu.dma_semaphore, #tpu.memory_space<semaphore_mem>>, %arg13: memref<!tpu.dma_semaphore, #tpu.memory_space<semaphore_mem>>, %arg14: memref<!tpu.dma_semaphore, #tpu.memory_space<semaphore_mem>>, %arg15: memref<!tpu.dma_semaphore, #tpu.memory_space<semaphore_mem>>, %arg16: memref<!tpu.dma_semaphore, #tpu.memory_space<semaphore_mem>>) attributes {dimension_semantics = [#tpu.dimension_semantics<core_parallel>, #tpu.dimension_semantics<subcore_parallel>], iteration_bounds = array<i64: 2, 16>, scalar_prefetch = 0 : i64, scratch_operands = 11 : i64, tpu.core_type = #tpu.core_type<sc_vector_subcore>, window_params = [{transform_indices = #map}, {transform_indices = #map}, {transform_indices = #map}, {transform_indices = #map1}]} {
    %mul3A = arith.constant 2 : i32
    %mul3A_0 = arith.muli %arg1, %mul3A : i32
    %add3A = arith.addi %mul3A_0, %arg0 : i32
    %mul3A_1 = arith.constant 32 : i32
    %mul3A_2 = arith.muli %add3A, %mul3A_1 : i32
    "tpu.region"() ({
      %run_scoped3A = tpu.sem_alloc : memref<!tpu.dma_semaphore, #tpu.memory_space<semaphore_mem>>
      %dma_start3A_265 = arith.constant 0 : i32
      %dma_start3A_266 = tpu.memref_slice %arg2[%mul3A_2, %dma_start3A_265] : memref<1024x200xi32, #tpu.memory_space<hbm>> -> memref<32x200xi32, #tpu.memory_space<hbm>>
      %dma_start3A_267 = arith.constant 0 : i32
      %dma_start3A_268 = tpu.memref_slice %arg2[%mul3A_2, %dma_start3A_267] : memref<1024x200xi32, #tpu.memory_space<hbm>> -> memref<32x200xi32, #tpu.memory_space<hbm>>
      tpu.enqueue_dma source(%dma_start3A_268 : memref<32x200xi32, #tpu.memory_space<hbm>>) target(%arg6 : memref<32x200xi32, #tpu.memory_space<vmem>>) target_semaphore(%run_scoped3A : memref<!tpu.dma_semaphore, #tpu.memory_space<semaphore_mem>>)
      %dma_wait3A_269 = arith.constant 0 : i32
      %dma_wait3A_270 = tpu.memref_slice %arg2[%mul3A_2, %dma_wait3A_269] : memref<1024x200xi32, #tpu.memory_space<hbm>> -> memref<32x200xi32, #tpu.memory_space<hbm>>
      %dma_wait3A_271 = arith.constant 0 : i32
      %dma_wait3A_272 = tpu.memref_slice %arg2[%mul3A_2, %dma_wait3A_271] : memref<1024x200xi32, #tpu.memory_space<hbm>> -> memref<32x200xi32, #tpu.memory_space<hbm>>
      tpu.wait_dma2 semaphore(%run_scoped3A : memref<!tpu.dma_semaphore, #tpu.memory_space<semaphore_mem>>) src(%dma_wait3A_272 : memref<32x200xi32, #tpu.memory_space<hbm>>) dst(%arg6 : memref<32x200xi32, #tpu.memory_space<vmem>>)
      tpu.yield
    }) : () -> ()
    "tpu.region"() ({
      %run_scoped3A = tpu.sem_alloc : memref<!tpu.dma_semaphore, #tpu.memory_space<semaphore_mem>>
      tpu.enqueue_dma source(%arg4 : memref<200x128xf32, #tpu.memory_space<hbm>>) target(%arg7 : memref<200x128xf32, #tpu.memory_space<vmem>>) target_semaphore(%run_scoped3A : memref<!tpu.dma_semaphore, #tpu.memory_space<semaphore_mem>>)
      tpu.wait_dma2 semaphore(%run_scoped3A : memref<!tpu.dma_semaphore, #tpu.memory_space<semaphore_mem>>) src(%arg4 : memref<200x128xf32, #tpu.memory_space<hbm>>) dst(%arg7 : memref<200x128xf32, #tpu.memory_space<vmem>>)
      tpu.yield
    }) : () -> ()
    %dma_start3A = arith.constant 0 : i32
    %dma_start3A_3 = arith.constant 0 : i32
    %dma_start3A_4 = arith.constant 0 : i32
    %dma_start3A_5 = tpu.memref_slice %arg8[%dma_start3A_3, %dma_start3A_4] : memref<200x128xf32, #tpu.memory_space<vmem>> -> memref<128x128xf32, #tpu.memory_space<vmem>>
    %dma_start3A_6 = arith.constant 0 : i32
    %dma_start3A_7 = tpu.memref_slice %arg6[%dma_start3A, %dma_start3A_6] : memref<32x200xi32, #tpu.memory_space<vmem>> -> memref<1x128xi32, #tpu.memory_space<vmem>>
    %dma_start3A_8 = tpu.memref_squeeze %dma_start3A_7 : memref<1x128xi32, #tpu.memory_space<vmem>> -> memref<128xi32, #tpu.memory_space<vmem>>
    %dma_start3A_9 = arith.constant 0 : i32
    %dma_start3A_10 = arith.constant 0 : i32
    %dma_start3A_11 = tpu.memref_slice %arg3[%dma_start3A_9, %dma_start3A_10] : memref<100000x128xf32, #tpu.memory_space<hbm>> -> memref<100000x128xf32, #tpu.memory_space<hbm>>
    tpu.enqueue_indirect_dma source(%dma_start3A_11 : memref<100000x128xf32, #tpu.memory_space<hbm>>) target(%dma_start3A_5 : memref<128x128xf32, #tpu.memory_space<vmem>>) offsets(%dma_start3A_8 : memref<128xi32, #tpu.memory_space<vmem>>) semaphore(%arg11 : memref<!tpu.dma_semaphore, #tpu.memory_space<semaphore_mem>>)
    %dma_start3A_12 = arith.constant 0 : i32
    %dma_start3A_13 = arith.constant 128 : i32
    %dma_start3A_14 = arith.constant 0 : i32
    %dma_start3A_15 = tpu.memref_slice %arg8[%dma_start3A_13, %dma_start3A_14] : memref<200x128xf32, #tpu.memory_space<vmem>> -> memref<72x128xf32, #tpu.memory_space<vmem>>
    %dma_start3A_16 = arith.constant 128 : i32
    %dma_start3A_17 = tpu.memref_slice %arg6[%dma_start3A_12, %dma_start3A_16] : memref<32x200xi32, #tpu.memory_space<vmem>> -> memref<1x72xi32, #tpu.memory_space<vmem>>
    %dma_start3A_18 = tpu.memref_squeeze %dma_start3A_17 : memref<1x72xi32, #tpu.memory_space<vmem>> -> memref<72xi32, #tpu.memory_space<vmem>>
    %dma_start3A_19 = arith.constant 0 : i32
    %dma_start3A_20 = arith.constant 0 : i32
    %dma_start3A_21 = tpu.memref_slice %arg3[%dma_start3A_19, %dma_start3A_20] : memref<100000x128xf32, #tpu.memory_space<hbm>> -> memref<100000x128xf32, #tpu.memory_space<hbm>>
    tpu.enqueue_indirect_dma source(%dma_start3A_21 : memref<100000x128xf32, #tpu.memory_space<hbm>>) target(%dma_start3A_15 : memref<72x128xf32, #tpu.memory_space<vmem>>) offsets(%dma_start3A_18 : memref<72xi32, #tpu.memory_space<vmem>>) semaphore(%arg11 : memref<!tpu.dma_semaphore, #tpu.memory_space<semaphore_mem>>)
    %dma_start3A_22 = arith.constant 1 : i32
    %dma_start3A_23 = arith.constant 0 : i32
    %dma_start3A_24 = arith.constant 0 : i32
    %dma_start3A_25 = tpu.memref_slice %arg9[%dma_start3A_23, %dma_start3A_24] : memref<200x128xf32, #tpu.memory_space<vmem>> -> memref<128x128xf32, #tpu.memory_space<vmem>>
    %dma_start3A_26 = arith.constant 0 : i32
    %dma_start3A_27 = tpu.memref_slice %arg6[%dma_start3A_22, %dma_start3A_26] : memref<32x200xi32, #tpu.memory_space<vmem>> -> memref<1x128xi32, #tpu.memory_space<vmem>>
    %dma_start3A_28 = tpu.memref_squeeze %dma_start3A_27 : memref<1x128xi32, #tpu.memory_space<vmem>> -> memref<128xi32, #tpu.memory_space<vmem>>
    %dma_start3A_29 = arith.constant 0 : i32
    %dma_start3A_30 = arith.constant 0 : i32
    %dma_start3A_31 = tpu.memref_slice %arg3[%dma_start3A_29, %dma_start3A_30] : memref<100000x128xf32, #tpu.memory_space<hbm>> -> memref<100000x128xf32, #tpu.memory_space<hbm>>
    tpu.enqueue_indirect_dma source(%dma_start3A_31 : memref<100000x128xf32, #tpu.memory_space<hbm>>) target(%dma_start3A_25 : memref<128x128xf32, #tpu.memory_space<vmem>>) offsets(%dma_start3A_28 : memref<128xi32, #tpu.memory_space<vmem>>) semaphore(%arg12 : memref<!tpu.dma_semaphore, #tpu.memory_space<semaphore_mem>>)
    %dma_start3A_32 = arith.constant 1 : i32
    %dma_start3A_33 = arith.constant 128 : i32
    %dma_start3A_34 = arith.constant 0 : i32
    %dma_start3A_35 = tpu.memref_slice %arg9[%dma_start3A_33, %dma_start3A_34] : memref<200x128xf32, #tpu.memory_space<vmem>> -> memref<72x128xf32, #tpu.memory_space<vmem>>
    %dma_start3A_36 = arith.constant 128 : i32
    %dma_start3A_37 = tpu.memref_slice %arg6[%dma_start3A_32, %dma_start3A_36] : memref<32x200xi32, #tpu.memory_space<vmem>> -> memref<1x72xi32, #tpu.memory_space<vmem>>
    %dma_start3A_38 = tpu.memref_squeeze %dma_start3A_37 : memref<1x72xi32, #tpu.memory_space<vmem>> -> memref<72xi32, #tpu.memory_space<vmem>>
    %dma_start3A_39 = arith.constant 0 : i32
    %dma_start3A_40 = arith.constant 0 : i32
    %dma_start3A_41 = tpu.memref_slice %arg3[%dma_start3A_39, %dma_start3A_40] : memref<100000x128xf32, #tpu.memory_space<hbm>> -> memref<100000x128xf32, #tpu.memory_space<hbm>>
    tpu.enqueue_indirect_dma source(%dma_start3A_41 : memref<100000x128xf32, #tpu.memory_space<hbm>>) target(%dma_start3A_35 : memref<72x128xf32, #tpu.memory_space<vmem>>) offsets(%dma_start3A_38 : memref<72xi32, #tpu.memory_space<vmem>>) semaphore(%arg12 : memref<!tpu.dma_semaphore, #tpu.memory_space<semaphore_mem>>)
    %scan3A = arith.constant 0 : i32
    %scan3A_42 = arith.constant 10 : i32
    %scan3A_43 = arith.addi %scan3A, %scan3A_42 : i32
    %scan3A_44 = arith.constant 1 : i32
    scf.for %scan3A_265 = %scan3A to %scan3A_43 step %scan3A_44  : i32 {
      %mul3A_266 = arith.constant 3 : i32
      %mul3A_267 = arith.muli %scan3A_265, %mul3A_266 : i32
      %add3A_268 = arith.constant 0 : i32
      %add3A_269 = arith.addi %add3A_268, %mul3A_267 : i32
      %add3A_270 = arith.constant 0 : i32
      %add3A_271 = arith.addi %add3A_269, %add3A_270 : i32
      %dma_wait3A_272 = arith.constant 0 : i32
      %dma_wait3A_273 = arith.constant 0 : i32
      %dma_wait3A_274 = tpu.memref_slice %arg8[%dma_wait3A_272, %dma_wait3A_273] : memref<200x128xf32, #tpu.memory_space<vmem>> -> memref<128x128xf32, #tpu.memory_space<vmem>>
      %dma_wait3A_275 = arith.constant 0 : i32
      %dma_wait3A_276 = tpu.memref_slice %arg6[%add3A_271, %dma_wait3A_275] : memref<32x200xi32, #tpu.memory_space<vmem>> -> memref<1x128xi32, #tpu.memory_space<vmem>>
      %dma_wait3A_277 = tpu.memref_squeeze %dma_wait3A_276 : memref<1x128xi32, #tpu.memory_space<vmem>> -> memref<128xi32, #tpu.memory_space<vmem>>
      %dma_wait3A_278 = arith.constant 0 : i32
      %dma_wait3A_279 = arith.constant 0 : i32
      %dma_wait3A_280 = tpu.memref_slice %arg3[%dma_wait3A_278, %dma_wait3A_279] : memref<100000x128xf32, #tpu.memory_space<hbm>> -> memref<100000x128xf32, #tpu.memory_space<hbm>>
      tpu.wait_indirect_dma semaphore(%arg11 : memref<!tpu.dma_semaphore, #tpu.memory_space<semaphore_mem>>) src(%dma_wait3A_280 : memref<100000x128xf32, #tpu.memory_space<hbm>>) dst(%dma_wait3A_274 : memref<128x128xf32, #tpu.memory_space<vmem>>)
      %scan3A_281 = arith.constant 0 : i32
      %scan3A_282 = arith.constant 128 : i32
      %scan3A_283 = arith.addi %scan3A_281, %scan3A_282 : i32
      %scan3A_284 = arith.constant 1 : i32
      scf.for %scan3A_522 = %scan3A_281 to %scan3A_283 step %scan3A_284  : i32 {
        %mul3A_523 = arith.constant 1 : i32
        %mul3A_524 = arith.muli %scan3A_522, %mul3A_523 : i32
        %add3A_525 = arith.constant 0 : i32
        %add3A_526 = arith.addi %add3A_525, %mul3A_524 : i32
        %get3A = arith.index_cast %add3A_526 : i32 to index
        %get3A_527 = arith.constant 0 : index
        %get3A_528 = tpu.vector_load %arg7[%get3A, %get3A_527] {strides = array<i32>} : memref<200x128xf32, #tpu.memory_space<vmem>>, vector<1x16xf32>,
        %get3A_529 = vector.shape_cast %get3A_528 : vector<1x16xf32> to vector<16xf32>
        %swap3A = arith.index_cast %add3A_526 : i32 to index
        %swap3A_530 = arith.constant 0 : index
        %swap3A_531 = tpu.vector_load %arg8[%swap3A, %swap3A_530] {strides = array<i32>} : memref<200x128xf32, #tpu.memory_space<vmem>>, vector<1x16xf32>,
        %swap3A_532 = vector.shape_cast %swap3A_531 : vector<1x16xf32> to vector<16xf32>
        %swap3A_533 = vector.shape_cast %get3A_529 : vector<16xf32> to vector<1x16xf32>
        tpu.vector_store %arg8[%swap3A, %swap3A_530], %swap3A_533 {add = true, strides = array<i32>} : memref<200x128xf32, #tpu.memory_space<vmem>>, vector<1x16xf32>,
        %get3A_534 = arith.index_cast %add3A_526 : i32 to index
        %get3A_535 = arith.constant 16 : index
        %get3A_536 = tpu.vector_load %arg7[%get3A_534, %get3A_535] {strides = array<i32>} : memref<200x128xf32, #tpu.memory_space<vmem>>, vector<1x16xf32>,
        %get3A_537 = vector.shape_cast %get3A_536 : vector<1x16xf32> to vector<16xf32>
        %swap3A_538 = arith.index_cast %add3A_526 : i32 to index
        %swap3A_539 = arith.constant 16 : index
        %swap3A_540 = tpu.vector_load %arg8[%swap3A_538, %swap3A_539] {strides = array<i32>} : memref<200x128xf32, #tpu.memory_space<vmem>>, vector<1x16xf32>,
        %swap3A_541 = vector.shape_cast %swap3A_540 : vector<1x16xf32> to vector<16xf32>
        %swap3A_542 = vector.shape_cast %get3A_537 : vector<16xf32> to vector<1x16xf32>
        tpu.vector_store %arg8[%swap3A_538, %swap3A_539], %swap3A_542 {add = true, strides = array<i32>} : memref<200x128xf32, #tpu.memory_space<vmem>>, vector<1x16xf32>,
        %get3A_543 = arith.index_cast %add3A_526 : i32 to index
        %get3A_544 = arith.constant 32 : index
        %get3A_545 = tpu.vector_load %arg7[%get3A_543, %get3A_544] {strides = array<i32>} : memref<200x128xf32, #tpu.memory_space<vmem>>, vector<1x16xf32>,
        %get3A_546 = vector.shape_cast %get3A_545 : vector<1x16xf32> to vector<16xf32>
        %swap3A_547 = arith.index_cast %add3A_526 : i32 to index
        %swap3A_548 = arith.constant 32 : index
        %swap3A_549 = tpu.vector_load %arg8[%swap3A_547, %swap3A_548] {strides = array<i32>} : memref<200x128xf32, #tpu.memory_space<vmem>>, vector<1x16xf32>,
        %swap3A_550 = vector.shape_cast %swap3A_549 : vector<1x16xf32> to vector<16xf32>
        %swap3A_551 = vector.shape_cast %get3A_546 : vector<16xf32> to vector<1x16xf32>
        tpu.vector_store %arg8[%swap3A_547, %swap3A_548], %swap3A_551 {add = true, strides = array<i32>} : memref<200x128xf32, #tpu.memory_space<vmem>>, vector<1x16xf32>,
        %get3A_552 = arith.index_cast %add3A_526 : i32 to index
        %get3A_553 = arith.constant 48 : index
        %get3A_554 = tpu.vector_load %arg7[%get3A_552, %get3A_553] {strides = array<i32>} : memref<200x128xf32, #tpu.memory_space<vmem>>, vector<1x16xf32>,
        %get3A_555 = vector.shape_cast %get3A_554 : vector<1x16xf32> to vector<16xf32>
        %swap3A_556 = arith.index_cast %add3A_526 : i32 to index
        %swap3A_557 = arith.constant 48 : index
        %swap3A_558 = tpu.vector_load %arg8[%swap3A_556, %swap3A_557] {strides = array<i32>} : memref<200x128xf32, #tpu.memory_space<vmem>>, vector<1x16xf32>,
        %swap3A_559 = vector.shape_cast %swap3A_558 : vector<1x16xf32> to vector<16xf32>
        %swap3A_560 = vector.shape_cast %get3A_555 : vector<16xf32> to vector<1x16xf32>
        tpu.vector_store %arg8[%swap3A_556, %swap3A_557], %swap3A_560 {add = true, strides = array<i32>} : memref<200x128xf32, #tpu.memory_space<vmem>>, vector<1x16xf32>,
        %get3A_561 = arith.index_cast %add3A_526 : i32 to index
        %get3A_562 = arith.constant 64 : index
        %get3A_563 = tpu.vector_load %arg7[%get3A_561, %get3A_562] {strides = array<i32>} : memref<200x128xf32, #tpu.memory_space<vmem>>, vector<1x16xf32>,
        %get3A_564 = vector.shape_cast %get3A_563 : vector<1x16xf32> to vector<16xf32>
        %swap3A_565 = arith.index_cast %add3A_526 : i32 to index
        %swap3A_566 = arith.constant 64 : index
        %swap3A_567 = tpu.vector_load %arg8[%swap3A_565, %swap3A_566] {strides = array<i32>} : memref<200x128xf32, #tpu.memory_space<vmem>>, vector<1x16xf32>,
        %swap3A_568 = vector.shape_cast %swap3A_567 : vector<1x16xf32> to vector<16xf32>
        %swap3A_569 = vector.shape_cast %get3A_564 : vector<16xf32> to vector<1x16xf32>
        tpu.vector_store %arg8[%swap3A_565, %swap3A_566], %swap3A_569 {add = true, strides = array<i32>} : memref<200x128xf32, #tpu.memory_space<vmem>>, vector<1x16xf32>,
        %get3A_570 = arith.index_cast %add3A_526 : i32 to index
        %get3A_571 = arith.constant 80 : index
        %get3A_572 = tpu.vector_load %arg7[%get3A_570, %get3A_571] {strides = array<i32>} : memref<200x128xf32, #tpu.memory_space<vmem>>, vector<1x16xf32>,
        %get3A_573 = vector.shape_cast %get3A_572 : vector<1x16xf32> to vector<16xf32>
        %swap3A_574 = arith.index_cast %add3A_526 : i32 to index
        %swap3A_575 = arith.constant 80 : index
        %swap3A_576 = tpu.vector_load %arg8[%swap3A_574, %swap3A_575] {strides = array<i32>} : memref<200x128xf32, #tpu.memory_space<vmem>>, vector<1x16xf32>,
        %swap3A_577 = vector.shape_cast %swap3A_576 : vector<1x16xf32> to vector<16xf32>
        %swap3A_578 = vector.shape_cast %get3A_573 : vector<16xf32> to vector<1x16xf32>
        tpu.vector_store %arg8[%swap3A_574, %swap3A_575], %swap3A_578 {add = true, strides = array<i32>} : memref<200x128xf32, #tpu.memory_space<vmem>>, vector<1x16xf32>,
        %get3A_579 = arith.index_cast %add3A_526 : i32 to index
        %get3A_580 = arith.constant 96 : index
        %get3A_581 = tpu.vector_load %arg7[%get3A_579, %get3A_580] {strides = array<i32>} : memref<200x128xf32, #tpu.memory_space<vmem>>, vector<1x16xf32>,
        %get3A_582 = vector.shape_cast %get3A_581 : vector<1x16xf32> to vector<16xf32>
        %swap3A_583 = arith.index_cast %add3A_526 : i32 to index
        %swap3A_584 = arith.constant 96 : index
        %swap3A_585 = tpu.vector_load %arg8[%swap3A_583, %swap3A_584] {strides = array<i32>} : memref<200x128xf32, #tpu.memory_space<vmem>>, vector<1x16xf32>,
        %swap3A_586 = vector.shape_cast %swap3A_585 : vector<1x16xf32> to vector<16xf32>
        %swap3A_587 = vector.shape_cast %get3A_582 : vector<16xf32> to vector<1x16xf32>
        tpu.vector_store %arg8[%swap3A_583, %swap3A_584], %swap3A_587 {add = true, strides = array<i32>} : memref<200x128xf32, #tpu.memory_space<vmem>>, vector<1x16xf32>,
        %get3A_588 = arith.index_cast %add3A_526 : i32 to index
        %get3A_589 = arith.constant 112 : index
        %get3A_590 = tpu.vector_load %arg7[%get3A_588, %get3A_589] {strides = array<i32>} : memref<200x128xf32, #tpu.memory_space<vmem>>, vector<1x16xf32>,
        %get3A_591 = vector.shape_cast %get3A_590 : vector<1x16xf32> to vector<16xf32>
        %swap3A_592 = arith.index_cast %add3A_526 : i32 to index
        %swap3A_593 = arith.constant 112 : index
        %swap3A_594 = tpu.vector_load %arg8[%swap3A_592, %swap3A_593] {strides = array<i32>} : memref<200x128xf32, #tpu.memory_space<vmem>>, vector<1x16xf32>,
        %swap3A_595 = vector.shape_cast %swap3A_594 : vector<1x16xf32> to vector<16xf32>
        %swap3A_596 = vector.shape_cast %get3A_591 : vector<16xf32> to vector<1x16xf32>
        tpu.vector_store %arg8[%swap3A_592, %swap3A_593], %swap3A_596 {add = true, strides = array<i32>} : memref<200x128xf32, #tpu.memory_space<vmem>>, vector<1x16xf32>,
      }
      %scan3A_285 = arith.constant 128 : i32
      %add3A_286 = arith.addi %mul3A_2, %add3A_271 : i32
      %dma_start3A_287 = arith.constant 0 : i32
      %dma_start3A_288 = arith.constant 0 : i32
      %dma_start3A_289 = tpu.memref_slice %arg8[%dma_start3A_287, %dma_start3A_288] : memref<200x128xf32, #tpu.memory_space<vmem>> -> memref<128x128xf32, #tpu.memory_space<vmem>>
      %dma_start3A_290 = arith.constant 0 : i32
      %dma_start3A_291 = arith.constant 0 : i32
      %dma_start3A_292 = tpu.memref_slice %arg5[%add3A_286, %dma_start3A_290, %dma_start3A_291] : memref<1024x200x128xf32, #tpu.memory_space<hbm>> -> memref<1x128x128xf32, #tpu.memory_space<hbm>>
      %dma_start3A_293 = tpu.memref_squeeze %dma_start3A_292 : memref<1x128x128xf32, #tpu.memory_space<hbm>> -> memref<128x128xf32, #tpu.memory_space<hbm>>
      %dma_start3A_294 = arith.constant 0 : i32
      %dma_start3A_295 = arith.constant 0 : i32
      %dma_start3A_296 = tpu.memref_slice %arg5[%add3A_286, %dma_start3A_294, %dma_start3A_295] : memref<1024x200x128xf32, #tpu.memory_space<hbm>> -> memref<1x128x128xf32, #tpu.memory_space<hbm>>
      %dma_start3A_297 = tpu.memref_squeeze %dma_start3A_296 : memref<1x128x128xf32, #tpu.memory_space<hbm>> -> memref<128x128xf32, #tpu.memory_space<hbm>>
      %dma_start3A_298 = arith.constant 0 : i32
      %dma_start3A_299 = arith.constant 0 : i32
      %dma_start3A_300 = tpu.memref_slice %arg8[%dma_start3A_298, %dma_start3A_299] : memref<200x128xf32, #tpu.memory_space<vmem>> -> memref<128x128xf32, #tpu.memory_space<vmem>>
      tpu.enqueue_dma source(%dma_start3A_300 : memref<128x128xf32, #tpu.memory_space<vmem>>) target(%dma_start3A_297 : memref<128x128xf32, #tpu.memory_space<hbm>>) target_semaphore(%arg14 : memref<!tpu.dma_semaphore, #tpu.memory_space<semaphore_mem>>)
      %gt3A = arith.constant 0 : i32
      %gt3A_301 = arith.cmpi sgt, %add3A_271, %gt3A : i32
      %convert_element_type3A = arith.extui %gt3A_301 : i1 to i32
      %cond3A = arith.constant 0 : i32
      %cond3A_302 = arith.cmpi ne, %convert_element_type3A, %cond3A : i32
      scf.if %cond3A_302 {
        %sub3A = arith.constant 1 : i32
        %sub3A_522 = arith.subi %add3A_271, %sub3A : i32
        %add3A_523 = arith.addi %mul3A_2, %sub3A_522 : i32
        %dma_wait3A_524 = arith.constant 0 : i32
        %dma_wait3A_525 = arith.constant 0 : i32
        %dma_wait3A_526 = tpu.memref_slice %arg10[%dma_wait3A_524, %dma_wait3A_525] : memref<200x128xf32, #tpu.memory_space<vmem>> -> memref<128x128xf32, #tpu.memory_space<vmem>>
        %dma_wait3A_527 = arith.constant 0 : i32
        %dma_wait3A_528 = arith.constant 0 : i32
        %dma_wait3A_529 = tpu.memref_slice %arg5[%add3A_523, %dma_wait3A_527, %dma_wait3A_528] : memref<1024x200x128xf32, #tpu.memory_space<hbm>> -> memref<1x128x128xf32, #tpu.memory_space<hbm>>
        %dma_wait3A_530 = tpu.memref_squeeze %dma_wait3A_529 : memref<1x128x128xf32, #tpu.memory_space<hbm>> -> memref<128x128xf32, #tpu.memory_space<hbm>>
        %dma_wait3A_531 = arith.constant 0 : i32
        %dma_wait3A_532 = arith.constant 0 : i32
        %dma_wait3A_533 = tpu.memref_slice %arg5[%add3A_523, %dma_wait3A_531, %dma_wait3A_532] : memref<1024x200x128xf32, #tpu.memory_space<hbm>> -> memref<1x128x128xf32, #tpu.memory_space<hbm>>
        %dma_wait3A_534 = tpu.memref_squeeze %dma_wait3A_533 : memref<1x128x128xf32, #tpu.memory_space<hbm>> -> memref<128x128xf32, #tpu.memory_space<hbm>>
        %dma_wait3A_535 = arith.constant 0 : i32
        %dma_wait3A_536 = arith.constant 0 : i32
        %dma_wait3A_537 = tpu.memref_slice %arg10[%dma_wait3A_535, %dma_wait3A_536] : memref<200x128xf32, #tpu.memory_space<vmem>> -> memref<128x128xf32, #tpu.memory_space<vmem>>
        tpu.wait_dma2 semaphore(%arg16 : memref<!tpu.dma_semaphore, #tpu.memory_space<semaphore_mem>>) src(%dma_wait3A_537 : memref<128x128xf32, #tpu.memory_space<vmem>>) dst(%dma_wait3A_534 : memref<128x128xf32, #tpu.memory_space<hbm>>)
        %add3A_538 = arith.addi %mul3A_2, %sub3A_522 : i32
        %dma_wait3A_539 = arith.constant 128 : i32
        %dma_wait3A_540 = arith.constant 0 : i32
        %dma_wait3A_541 = tpu.memref_slice %arg10[%dma_wait3A_539, %dma_wait3A_540] : memref<200x128xf32, #tpu.memory_space<vmem>> -> memref<72x128xf32, #tpu.memory_space<vmem>>
        %dma_wait3A_542 = arith.constant 128 : i32
        %dma_wait3A_543 = arith.constant 0 : i32
        %dma_wait3A_544 = tpu.memref_slice %arg5[%add3A_538, %dma_wait3A_542, %dma_wait3A_543] : memref<1024x200x128xf32, #tpu.memory_space<hbm>> -> memref<1x72x128xf32, #tpu.memory_space<hbm>>
        %dma_wait3A_545 = tpu.memref_squeeze %dma_wait3A_544 : memref<1x72x128xf32, #tpu.memory_space<hbm>> -> memref<72x128xf32, #tpu.memory_space<hbm>>
        %dma_wait3A_546 = arith.constant 128 : i32
        %dma_wait3A_547 = arith.constant 0 : i32
        %dma_wait3A_548 = tpu.memref_slice %arg5[%add3A_538, %dma_wait3A_546, %dma_wait3A_547] : memref<1024x200x128xf32, #tpu.memory_space<hbm>> -> memref<1x72x128xf32, #tpu.memory_space<hbm>>
        %dma_wait3A_549 = tpu.memref_squeeze %dma_wait3A_548 : memref<1x72x128xf32, #tpu.memory_space<hbm>> -> memref<72x128xf32, #tpu.memory_space<hbm>>
        %dma_wait3A_550 = arith.constant 128 : i32
        %dma_wait3A_551 = arith.constant 0 : i32
        %dma_wait3A_552 = tpu.memref_slice %arg10[%dma_wait3A_550, %dma_wait3A_551] : memref<200x128xf32, #tpu.memory_space<vmem>> -> memref<72x128xf32, #tpu.memory_space<vmem>>
        tpu.wait_dma2 semaphore(%arg16 : memref<!tpu.dma_semaphore, #tpu.memory_space<semaphore_mem>>) src(%dma_wait3A_552 : memref<72x128xf32, #tpu.memory_space<vmem>>) dst(%dma_wait3A_549 : memref<72x128xf32, #tpu.memory_space<hbm>>)
      } else {
      }
      %add3A_303 = arith.constant 2 : i32
      %add3A_304 = arith.addi %add3A_271, %add3A_303 : i32
      %dma_start3A_305 = arith.constant 0 : i32
      %dma_start3A_306 = arith.constant 0 : i32
      %dma_start3A_307 = tpu.memref_slice %arg10[%dma_start3A_305, %dma_start3A_306] : memref<200x128xf32, #tpu.memory_space<vmem>> -> memref<128x128xf32, #tpu.memory_space<vmem>>
      %dma_start3A_308 = arith.constant 0 : i32
      %dma_start3A_309 = tpu.memref_slice %arg6[%add3A_304, %dma_start3A_308] : memref<32x200xi32, #tpu.memory_space<vmem>> -> memref<1x128xi32, #tpu.memory_space<vmem>>
      %dma_start3A_310 = tpu.memref_squeeze %dma_start3A_309 : memref<1x128xi32, #tpu.memory_space<vmem>> -> memref<128xi32, #tpu.memory_space<vmem>>
      %dma_start3A_311 = arith.constant 0 : i32
      %dma_start3A_312 = arith.constant 0 : i32
      %dma_start3A_313 = tpu.memref_slice %arg3[%dma_start3A_311, %dma_start3A_312] : memref<100000x128xf32, #tpu.memory_space<hbm>> -> memref<100000x128xf32, #tpu.memory_space<hbm>>
      tpu.enqueue_indirect_dma source(%dma_start3A_313 : memref<100000x128xf32, #tpu.memory_space<hbm>>) target(%dma_start3A_307 : memref<128x128xf32, #tpu.memory_space<vmem>>) offsets(%dma_start3A_310 : memref<128xi32, #tpu.memory_space<vmem>>) semaphore(%arg13 : memref<!tpu.dma_semaphore, #tpu.memory_space<semaphore_mem>>)
      %dma_start3A_314 = arith.constant 128 : i32
      %dma_start3A_315 = arith.constant 0 : i32
      %dma_start3A_316 = tpu.memref_slice %arg10[%dma_start3A_314, %dma_start3A_315] : memref<200x128xf32, #tpu.memory_space<vmem>> -> memref<72x128xf32, #tpu.memory_space<vmem>>
      %dma_start3A_317 = arith.constant 128 : i32
      %dma_start3A_318 = tpu.memref_slice %arg6[%add3A_304, %dma_start3A_317] : memref<32x200xi32, #tpu.memory_space<vmem>> -> memref<1x72xi32, #tpu.memory_space<vmem>>
      %dma_start3A_319 = tpu.memref_squeeze %dma_start3A_318 : memref<1x72xi32, #tpu.memory_space<vmem>> -> memref<72xi32, #tpu.memory_space<vmem>>
      %dma_start3A_320 = arith.constant 0 : i32
      %dma_start3A_321 = arith.constant 0 : i32
      %dma_start3A_322 = tpu.memref_slice %arg3[%dma_start3A_320, %dma_start3A_321] : memref<100000x128xf32, #tpu.memory_space<hbm>> -> memref<100000x128xf32, #tpu.memory_space<hbm>>
      tpu.enqueue_indirect_dma source(%dma_start3A_322 : memref<100000x128xf32, #tpu.memory_space<hbm>>) target(%dma_start3A_316 : memref<72x128xf32, #tpu.memory_space<vmem>>) offsets(%dma_start3A_319 : memref<72xi32, #tpu.memory_space<vmem>>) semaphore(%arg13 : memref<!tpu.dma_semaphore, #tpu.memory_space<semaphore_mem>>)
      %dma_wait3A_323 = arith.constant 128 : i32
      %dma_wait3A_324 = arith.constant 0 : i32
      %dma_wait3A_325 = tpu.memref_slice %arg8[%dma_wait3A_323, %dma_wait3A_324] : memref<200x128xf32, #tpu.memory_space<vmem>> -> memref<72x128xf32, #tpu.memory_space<vmem>>
      %dma_wait3A_326 = arith.constant 128 : i32
      %dma_wait3A_327 = tpu.memref_slice %arg6[%add3A_271, %dma_wait3A_326] : memref<32x200xi32, #tpu.memory_space<vmem>> -> memref<1x72xi32, #tpu.memory_space<vmem>>
      %dma_wait3A_328 = tpu.memref_squeeze %dma_wait3A_327 : memref<1x72xi32, #tpu.memory_space<vmem>> -> memref<72xi32, #tpu.memory_space<vmem>>
      %dma_wait3A_329 = arith.constant 0 : i32
      %dma_wait3A_330 = arith.constant 0 : i32
      %dma_wait3A_331 = tpu.memref_slice %arg3[%dma_wait3A_329, %dma_wait3A_330] : memref<100000x128xf32, #tpu.memory_space<hbm>> -> memref<100000x128xf32, #tpu.memory_space<hbm>>
      tpu.wait_indirect_dma semaphore(%arg11 : memref<!tpu.dma_semaphore, #tpu.memory_space<semaphore_mem>>) src(%dma_wait3A_331 : memref<100000x128xf32, #tpu.memory_space<hbm>>) dst(%dma_wait3A_325 : memref<72x128xf32, #tpu.memory_space<vmem>>)
      %scan3A_332 = arith.constant 0 : i32
      %scan3A_333 = arith.constant 72 : i32
      %scan3A_334 = arith.addi %scan3A_332, %scan3A_333 : i32
      %scan3A_335 = arith.constant 1 : i32
      scf.for %scan3A_522 = %scan3A_332 to %scan3A_334 step %scan3A_335  : i32 {
        %mul3A_523 = arith.constant 1 : i32
        %mul3A_524 = arith.muli %scan3A_522, %mul3A_523 : i32
        %add3A_525 = arith.constant 128 : i32
        %add3A_526 = arith.addi %add3A_525, %mul3A_524 : i32
        %get3A = arith.index_cast %add3A_526 : i32 to index
        %get3A_527 = arith.constant 0 : index
        %get3A_528 = tpu.vector_load %arg7[%get3A, %get3A_527] {strides = array<i32>} : memref<200x128xf32, #tpu.memory_space<vmem>>, vector<1x16xf32>,
        %get3A_529 = vector.shape_cast %get3A_528 : vector<1x16xf32> to vector<16xf32>
        %swap3A = arith.index_cast %add3A_526 : i32 to index
        %swap3A_530 = arith.constant 0 : index
        %swap3A_531 = tpu.vector_load %arg8[%swap3A, %swap3A_530] {strides = array<i32>} : memref<200x128xf32, #tpu.memory_space<vmem>>, vector<1x16xf32>,
        %swap3A_532 = vector.shape_cast %swap3A_531 : vector<1x16xf32> to vector<16xf32>
        %swap3A_533 = vector.shape_cast %get3A_529 : vector<16xf32> to vector<1x16xf32>
        tpu.vector_store %arg8[%swap3A, %swap3A_530], %swap3A_533 {add = true, strides = array<i32>} : memref<200x128xf32, #tpu.memory_space<vmem>>, vector<1x16xf32>,
        %get3A_534 = arith.index_cast %add3A_526 : i32 to index
        %get3A_535 = arith.constant 16 : index
        %get3A_536 = tpu.vector_load %arg7[%get3A_534, %get3A_535] {strides = array<i32>} : memref<200x128xf32, #tpu.memory_space<vmem>>, vector<1x16xf32>,
        %get3A_537 = vector.shape_cast %get3A_536 : vector<1x16xf32> to vector<16xf32>
        %swap3A_538 = arith.index_cast %add3A_526 : i32 to index
        %swap3A_539 = arith.constant 16 : index
        %swap3A_540 = tpu.vector_load %arg8[%swap3A_538, %swap3A_539] {strides = array<i32>} : memref<200x128xf32, #tpu.memory_space<vmem>>, vector<1x16xf32>,
        %swap3A_541 = vector.shape_cast %swap3A_540 : vector<1x16xf32> to vector<16xf32>
        %swap3A_542 = vector.shape_cast %get3A_537 : vector<16xf32> to vector<1x16xf32>
        tpu.vector_store %arg8[%swap3A_538, %swap3A_539], %swap3A_542 {add = true, strides = array<i32>} : memref<200x128xf32, #tpu.memory_space<vmem>>, vector<1x16xf32>,
        %get3A_543 = arith.index_cast %add3A_526 : i32 to index
        %get3A_544 = arith.constant 32 : index
        %get3A_545 = tpu.vector_load %arg7[%get3A_543, %get3A_544] {strides = array<i32>} : memref<200x128xf32, #tpu.memory_space<vmem>>, vector<1x16xf32>,
        %get3A_546 = vector.shape_cast %get3A_545 : vector<1x16xf32> to vector<16xf32>
        %swap3A_547 = arith.index_cast %add3A_526 : i32 to index
        %swap3A_548 = arith.constant 32 : index
        %swap3A_549 = tpu.vector_load %arg8[%swap3A_547, %swap3A_548] {strides = array<i32>} : memref<200x128xf32, #tpu.memory_space<vmem>>, vector<1x16xf32>,
        %swap3A_550 = vector.shape_cast %swap3A_549 : vector<1x16xf32> to vector<16xf32>
        %swap3A_551 = vector.shape_cast %get3A_546 : vector<16xf32> to vector<1x16xf32>
        tpu.vector_store %arg8[%swap3A_547, %swap3A_548], %swap3A_551 {add = true, strides = array<i32>} : memref<200x128xf32, #tpu.memory_space<vmem>>, vector<1x16xf32>,
        %get3A_552 = arith.index_cast %add3A_526 : i32 to index
        %get3A_553 = arith.constant 48 : index
        %get3A_554 = tpu.vector_load %arg7[%get3A_552, %get3A_553] {strides = array<i32>} : memref<200x128xf32, #tpu.memory_space<vmem>>, vector<1x16xf32>,
        %get3A_555 = vector.shape_cast %get3A_554 : vector<1x16xf32> to vector<16xf32>
        %swap3A_556 = arith.index_cast %add3A_526 : i32 to index
        %swap3A_557 = arith.constant 48 : index
        %swap3A_558 = tpu.vector_load %arg8[%swap3A_556, %swap3A_557] {strides = array<i32>} : memref<200x128xf32, #tpu.memory_space<vmem>>, vector<1x16xf32>,
        %swap3A_559 = vector.shape_cast %swap3A_558 : vector<1x16xf32> to vector<16xf32>
        %swap3A_560 = vector.shape_cast %get3A_555 : vector<16xf32> to vector<1x16xf32>
        tpu.vector_store %arg8[%swap3A_556, %swap3A_557], %swap3A_560 {add = true, strides = array<i32>} : memref<200x128xf32, #tpu.memory_space<vmem>>, vector<1x16xf32>,
        %get3A_561 = arith.index_cast %add3A_526 : i32 to index
        %get3A_562 = arith.constant 64 : index
        %get3A_563 = tpu.vector_load %arg7[%get3A_561, %get3A_562] {strides = array<i32>} : memref<200x128xf32, #tpu.memory_space<vmem>>, vector<1x16xf32>,
        %get3A_564 = vector.shape_cast %get3A_563 : vector<1x16xf32> to vector<16xf32>
        %swap3A_565 = arith.index_cast %add3A_526 : i32 to index
        %swap3A_566 = arith.constant 64 : index
        %swap3A_567 = tpu.vector_load %arg8[%swap3A_565, %swap3A_566] {strides = array<i32>} : memref<200x128xf32, #tpu.memory_space<vmem>>, vector<1x16xf32>,
        %swap3A_568 = vector.shape_cast %swap3A_567 : vector<1x16xf32> to vector<16xf32>
        %swap3A_569 = vector.shape_cast %get3A_564 : vector<16xf32> to vector<1x16xf32>
        tpu.vector_store %arg8[%swap3A_565, %swap3A_566], %swap3A_569 {add = true, strides = array<i32>} : memref<200x128xf32, #tpu.memory_space<vmem>>, vector<1x16xf32>,
        %get3A_570 = arith.index_cast %add3A_526 : i32 to index
        %get3A_571 = arith.constant 80 : index
        %get3A_572 = tpu.vector_load %arg7[%get3A_570, %get3A_571] {strides = array<i32>} : memref<200x128xf32, #tpu.memory_space<vmem>>, vector<1x16xf32>,
        %get3A_573 = vector.shape_cast %get3A_572 : vector<1x16xf32> to vector<16xf32>
        %swap3A_574 = arith.index_cast %add3A_526 : i32 to index
        %swap3A_575 = arith.constant 80 : index
        %swap3A_576 = tpu.vector_load %arg8[%swap3A_574, %swap3A_575] {strides = array<i32>} : memref<200x128xf32, #tpu.memory_space<vmem>>, vector<1x16xf32>,
        %swap3A_577 = vector.shape_cast %swap3A_576 : vector<1x16xf32> to vector<16xf32>
        %swap3A_578 = vector.shape_cast %get3A_573 : vector<16xf32> to vector<1x16xf32>
        tpu.vector_store %arg8[%swap3A_574, %swap3A_575], %swap3A_578 {add = true, strides = array<i32>} : memref<200x128xf32, #tpu.memory_space<vmem>>, vector<1x16xf32>,
        %get3A_579 = arith.index_cast %add3A_526 : i32 to index
        %get3A_580 = arith.constant 96 : index
        %get3A_581 = tpu.vector_load %arg7[%get3A_579, %get3A_580] {strides = array<i32>} : memref<200x128xf32, #tpu.memory_space<vmem>>, vector<1x16xf32>,
        %get3A_582 = vector.shape_cast %get3A_581 : vector<1x16xf32> to vector<16xf32>
        %swap3A_583 = arith.index_cast %add3A_526 : i32 to index
        %swap3A_584 = arith.constant 96 : index
        %swap3A_585 = tpu.vector_load %arg8[%swap3A_583, %swap3A_584] {strides = array<i32>} : memref<200x128xf32, #tpu.memory_space<vmem>>, vector<1x16xf32>,
        %swap3A_586 = vector.shape_cast %swap3A_585 : vector<1x16xf32> to vector<16xf32>
        %swap3A_587 = vector.shape_cast %get3A_582 : vector<16xf32> to vector<1x16xf32>
        tpu.vector_store %arg8[%swap3A_583, %swap3A_584], %swap3A_587 {add = true, strides = array<i32>} : memref<200x128xf32, #tpu.memory_space<vmem>>, vector<1x16xf32>,
        %get3A_588 = arith.index_cast %add3A_526 : i32 to index
        %get3A_589 = arith.constant 112 : index
        %get3A_590 = tpu.vector_load %arg7[%get3A_588, %get3A_589] {strides = array<i32>} : memref<200x128xf32, #tpu.memory_space<vmem>>, vector<1x16xf32>,
        %get3A_591 = vector.shape_cast %get3A_590 : vector<1x16xf32> to vector<16xf32>
        %swap3A_592 = arith.index_cast %add3A_526 : i32 to index
        %swap3A_593 = arith.constant 112 : index
        %swap3A_594 = tpu.vector_load %arg8[%swap3A_592, %swap3A_593] {strides = array<i32>} : memref<200x128xf32, #tpu.memory_space<vmem>>, vector<1x16xf32>,
        %swap3A_595 = vector.shape_cast %swap3A_594 : vector<1x16xf32> to vector<16xf32>
        %swap3A_596 = vector.shape_cast %get3A_591 : vector<16xf32> to vector<1x16xf32>
        tpu.vector_store %arg8[%swap3A_592, %swap3A_593], %swap3A_596 {add = true, strides = array<i32>} : memref<200x128xf32, #tpu.memory_space<vmem>>, vector<1x16xf32>,
      }
      %scan3A_336 = arith.constant 72 : i32
      %add3A_337 = arith.addi %mul3A_2, %add3A_271 : i32
      %dma_start3A_338 = arith.constant 128 : i32
      %dma_start3A_339 = arith.constant 0 : i32
      %dma_start3A_340 = tpu.memref_slice %arg8[%dma_start3A_338, %dma_start3A_339] : memref<200x128xf32, #tpu.memory_space<vmem>> -> memref<72x128xf32, #tpu.memory_space<vmem>>
      %dma_start3A_341 = arith.constant 128 : i32
      %dma_start3A_342 = arith.constant 0 : i32
      %dma_start3A_343 = tpu.memref_slice %arg5[%add3A_337, %dma_start3A_341, %dma_start3A_342] : memref<1024x200x128xf32, #tpu.memory_space<hbm>> -> memref<1x72x128xf32, #tpu.memory_space<hbm>>
      %dma_start3A_344 = tpu.memref_squeeze %dma_start3A_343 : memref<1x72x128xf32, #tpu.memory_space<hbm>> -> memref<72x128xf32, #tpu.memory_space<hbm>>
      %dma_start3A_345 = arith.constant 128 : i32
      %dma_start3A_346 = arith.constant 0 : i32
      %dma_start3A_347 = tpu.memref_slice %arg5[%add3A_337, %dma_start3A_345, %dma_start3A_346] : memref<1024x200x128xf32, #tpu.memory_space<hbm>> -> memref<1x72x128xf32, #tpu.memory_space<hbm>>
      %dma_start3A_348 = tpu.memref_squeeze %dma_start3A_347 : memref<1x72x128xf32, #tpu.memory_space<hbm>> -> memref<72x128xf32, #tpu.memory_space<hbm>>
      %dma_start3A_349 = arith.constant 128 : i32
      %dma_start3A_350 = arith.constant 0 : i32
      %dma_start3A_351 = tpu.memref_slice %arg8[%dma_start3A_349, %dma_start3A_350] : memref<200x128xf32, #tpu.memory_space<vmem>> -> memref<72x128xf32, #tpu.memory_space<vmem>>
      tpu.enqueue_dma source(%dma_start3A_351 : memref<72x128xf32, #tpu.memory_space<vmem>>) target(%dma_start3A_348 : memref<72x128xf32, #tpu.memory_space<hbm>>) target_semaphore(%arg14 : memref<!tpu.dma_semaphore, #tpu.memory_space<semaphore_mem>>)
      %add3A_352 = arith.constant 1 : i32
      %add3A_353 = arith.addi %add3A_269, %add3A_352 : i32
      %dma_wait3A_354 = arith.constant 0 : i32
      %dma_wait3A_355 = arith.constant 0 : i32
      %dma_wait3A_356 = tpu.memref_slice %arg9[%dma_wait3A_354, %dma_wait3A_355] : memref<200x128xf32, #tpu.memory_space<vmem>> -> memref<128x128xf32, #tpu.memory_space<vmem>>
      %dma_wait3A_357 = arith.constant 0 : i32
      %dma_wait3A_358 = tpu.memref_slice %arg6[%add3A_353, %dma_wait3A_357] : memref<32x200xi32, #tpu.memory_space<vmem>> -> memref<1x128xi32, #tpu.memory_space<vmem>>
      %dma_wait3A_359 = tpu.memref_squeeze %dma_wait3A_358 : memref<1x128xi32, #tpu.memory_space<vmem>> -> memref<128xi32, #tpu.memory_space<vmem>>
      %dma_wait3A_360 = arith.constant 0 : i32
      %dma_wait3A_361 = arith.constant 0 : i32
      %dma_wait3A_362 = tpu.memref_slice %arg3[%dma_wait3A_360, %dma_wait3A_361] : memref<100000x128xf32, #tpu.memory_space<hbm>> -> memref<100000x128xf32, #tpu.memory_space<hbm>>
      tpu.wait_indirect_dma semaphore(%arg12 : memref<!tpu.dma_semaphore, #tpu.memory_space<semaphore_mem>>) src(%dma_wait3A_362 : memref<100000x128xf32, #tpu.memory_space<hbm>>) dst(%dma_wait3A_356 : memref<128x128xf32, #tpu.memory_space<vmem>>)
      %scan3A_363 = arith.constant 0 : i32
      %scan3A_364 = arith.constant 128 : i32
      %scan3A_365 = arith.addi %scan3A_363, %scan3A_364 : i32
      %scan3A_366 = arith.constant 1 : i32
      scf.for %scan3A_522 = %scan3A_363 to %scan3A_365 step %scan3A_366  : i32 {
        %mul3A_523 = arith.constant 1 : i32
        %mul3A_524 = arith.muli %scan3A_522, %mul3A_523 : i32
        %add3A_525 = arith.constant 0 : i32
        %add3A_526 = arith.addi %add3A_525, %mul3A_524 : i32
        %get3A = arith.index_cast %add3A_526 : i32 to index
        %get3A_527 = arith.constant 0 : index
        %get3A_528 = tpu.vector_load %arg7[%get3A, %get3A_527] {strides = array<i32>} : memref<200x128xf32, #tpu.memory_space<vmem>>, vector<1x16xf32>,
        %get3A_529 = vector.shape_cast %get3A_528 : vector<1x16xf32> to vector<16xf32>
        %swap3A = arith.index_cast %add3A_526 : i32 to index
        %swap3A_530 = arith.constant 0 : index
        %swap3A_531 = tpu.vector_load %arg9[%swap3A, %swap3A_530] {strides = array<i32>} : memref<200x128xf32, #tpu.memory_space<vmem>>, vector<1x16xf32>,
        %swap3A_532 = vector.shape_cast %swap3A_531 : vector<1x16xf32> to vector<16xf32>
        %swap3A_533 = vector.shape_cast %get3A_529 : vector<16xf32> to vector<1x16xf32>
        tpu.vector_store %arg9[%swap3A, %swap3A_530], %swap3A_533 {add = true, strides = array<i32>} : memref<200x128xf32, #tpu.memory_space<vmem>>, vector<1x16xf32>,
        %get3A_534 = arith.index_cast %add3A_526 : i32 to index
        %get3A_535 = arith.constant 16 : index
        %get3A_536 = tpu.vector_load %arg7[%get3A_534, %get3A_535] {strides = array<i32>} : memref<200x128xf32, #tpu.memory_space<vmem>>, vector<1x16xf32>,
        %get3A_537 = vector.shape_cast %get3A_536 : vector<1x16xf32> to vector<16xf32>
        %swap3A_538 = arith.index_cast %add3A_526 : i32 to index
        %swap3A_539 = arith.constant 16 : index
        %swap3A_540 = tpu.vector_load %arg9[%swap3A_538, %swap3A_539] {strides = array<i32>} : memref<200x128xf32, #tpu.memory_space<vmem>>, vector<1x16xf32>,
        %swap3A_541 = vector.shape_cast %swap3A_540 : vector<1x16xf32> to vector<16xf32>
        %swap3A_542 = vector.shape_cast %get3A_537 : vector<16xf32> to vector<1x16xf32>
        tpu.vector_store %arg9[%swap3A_538, %swap3A_539], %swap3A_542 {add = true, strides = array<i32>} : memref<200x128xf32, #tpu.memory_space<vmem>>, vector<1x16xf32>,
        %get3A_543 = arith.index_cast %add3A_526 : i32 to index
        %get3A_544 = arith.constant 32 : index
        %get3A_545 = tpu.vector_load %arg7[%get3A_543, %get3A_544] {strides = array<i32>} : memref<200x128xf32, #tpu.memory_space<vmem>>, vector<1x16xf32>,
        %get3A_546 = vector.shape_cast %get3A_545 : vector<1x16xf32> to vector<16xf32>
        %swap3A_547 = arith.index_cast %add3A_526 : i32 to index
        %swap3A_548 = arith.constant 32 : index
        %swap3A_549 = tpu.vector_load %arg9[%swap3A_547, %swap3A_548] {strides = array<i32>} : memref<200x128xf32, #tpu.memory_space<vmem>>, vector<1x16xf32>,
        %swap3A_550 = vector.shape_cast %swap3A_549 : vector<1x16xf32> to vector<16xf32>
        %swap3A_551 = vector.shape_cast %get3A_546 : vector<16xf32> to vector<1x16xf32>
        tpu.vector_store %arg9[%swap3A_547, %swap3A_548], %swap3A_551 {add = true, strides = array<i32>} : memref<200x128xf32, #tpu.memory_space<vmem>>, vector<1x16xf32>,
        %get3A_552 = arith.index_cast %add3A_526 : i32 to index
        %get3A_553 = arith.constant 48 : index
        %get3A_554 = tpu.vector_load %arg7[%get3A_552, %get3A_553] {strides = array<i32>} : memref<200x128xf32, #tpu.memory_space<vmem>>, vector<1x16xf32>,
        %get3A_555 = vector.shape_cast %get3A_554 : vector<1x16xf32> to vector<16xf32>
        %swap3A_556 = arith.index_cast %add3A_526 : i32 to index
        %swap3A_557 = arith.constant 48 : index
        %swap3A_558 = tpu.vector_load %arg9[%swap3A_556, %swap3A_557] {strides = array<i32>} : memref<200x128xf32, #tpu.memory_space<vmem>>, vector<1x16xf32>,
        %swap3A_559 = vector.shape_cast %swap3A_558 : vector<1x16xf32> to vector<16xf32>
        %swap3A_560 = vector.shape_cast %get3A_555 : vector<16xf32> to vector<1x16xf32>
        tpu.vector_store %arg9[%swap3A_556, %swap3A_557], %swap3A_560 {add = true, strides = array<i32>} : memref<200x128xf32, #tpu.memory_space<vmem>>, vector<1x16xf32>,
        %get3A_561 = arith.index_cast %add3A_526 : i32 to index
        %get3A_562 = arith.constant 64 : index
        %get3A_563 = tpu.vector_load %arg7[%get3A_561, %get3A_562] {strides = array<i32>} : memref<200x128xf32, #tpu.memory_space<vmem>>, vector<1x16xf32>,
        %get3A_564 = vector.shape_cast %get3A_563 : vector<1x16xf32> to vector<16xf32>
        %swap3A_565 = arith.index_cast %add3A_526 : i32 to index
        %swap3A_566 = arith.constant 64 : index
        %swap3A_567 = tpu.vector_load %arg9[%swap3A_565, %swap3A_566] {strides = array<i32>} : memref<200x128xf32, #tpu.memory_space<vmem>>, vector<1x16xf32>,
        %swap3A_568 = vector.shape_cast %swap3A_567 : vector<1x16xf32> to vector<16xf32>
        %swap3A_569 = vector.shape_cast %get3A_564 : vector<16xf32> to vector<1x16xf32>
        tpu.vector_store %arg9[%swap3A_565, %swap3A_566], %swap3A_569 {add = true, strides = array<i32>} : memref<200x128xf32, #tpu.memory_space<vmem>>, vector<1x16xf32>,
        %get3A_570 = arith.index_cast %add3A_526 : i32 to index
        %get3A_571 = arith.constant 80 : index
        %get3A_572 = tpu.vector_load %arg7[%get3A_570, %get3A_571] {strides = array<i32>} : memref<200x128xf32, #tpu.memory_space<vmem>>, vector<1x16xf32>,
        %get3A_573 = vector.shape_cast %get3A_572 : vector<1x16xf32> to vector<16xf32>
        %swap3A_574 = arith.index_cast %add3A_526 : i32 to index
        %swap3A_575 = arith.constant 80 : index
        %swap3A_576 = tpu.vector_load %arg9[%swap3A_574, %swap3A_575] {strides = array<i32>} : memref<200x128xf32, #tpu.memory_space<vmem>>, vector<1x16xf32>,
        %swap3A_577 = vector.shape_cast %swap3A_576 : vector<1x16xf32> to vector<16xf32>
        %swap3A_578 = vector.shape_cast %get3A_573 : vector<16xf32> to vector<1x16xf32>
        tpu.vector_store %arg9[%swap3A_574, %swap3A_575], %swap3A_578 {add = true, strides = array<i32>} : memref<200x128xf32, #tpu.memory_space<vmem>>, vector<1x16xf32>,
        %get3A_579 = arith.index_cast %add3A_526 : i32 to index
        %get3A_580 = arith.constant 96 : index
        %get3A_581 = tpu.vector_load %arg7[%get3A_579, %get3A_580] {strides = array<i32>} : memref<200x128xf32, #tpu.memory_space<vmem>>, vector<1x16xf32>,
        %get3A_582 = vector.shape_cast %get3A_581 : vector<1x16xf32> to vector<16xf32>
        %swap3A_583 = arith.index_cast %add3A_526 : i32 to index
        %swap3A_584 = arith.constant 96 : index
        %swap3A_585 = tpu.vector_load %arg9[%swap3A_583, %swap3A_584] {strides = array<i32>} : memref<200x128xf32, #tpu.memory_space<vmem>>, vector<1x16xf32>,
        %swap3A_586 = vector.shape_cast %swap3A_585 : vector<1x16xf32> to vector<16xf32>
        %swap3A_587 = vector.shape_cast %get3A_582 : vector<16xf32> to vector<1x16xf32>
        tpu.vector_store %arg9[%swap3A_583, %swap3A_584], %swap3A_587 {add = true, strides = array<i32>} : memref<200x128xf32, #tpu.memory_space<vmem>>, vector<1x16xf32>,
        %get3A_588 = arith.index_cast %add3A_526 : i32 to index
        %get3A_589 = arith.constant 112 : index
        %get3A_590 = tpu.vector_load %arg7[%get3A_588, %get3A_589] {strides = array<i32>} : memref<200x128xf32, #tpu.memory_space<vmem>>, vector<1x16xf32>,
        %get3A_591 = vector.shape_cast %get3A_590 : vector<1x16xf32> to vector<16xf32>
        %swap3A_592 = arith.index_cast %add3A_526 : i32 to index
        %swap3A_593 = arith.constant 112 : index
        %swap3A_594 = tpu.vector_load %arg9[%swap3A_592, %swap3A_593] {strides = array<i32>} : memref<200x128xf32, #tpu.memory_space<vmem>>, vector<1x16xf32>,
        %swap3A_595 = vector.shape_cast %swap3A_594 : vector<1x16xf32> to vector<16xf32>
        %swap3A_596 = vector.shape_cast %get3A_591 : vector<16xf32> to vector<1x16xf32>
        tpu.vector_store %arg9[%swap3A_592, %swap3A_593], %swap3A_596 {add = true, strides = array<i32>} : memref<200x128xf32, #tpu.memory_space<vmem>>, vector<1x16xf32>,
      }
      %scan3A_367 = arith.constant 128 : i32
      %add3A_368 = arith.addi %mul3A_2, %add3A_353 : i32
      %dma_start3A_369 = arith.constant 0 : i32
      %dma_start3A_370 = arith.constant 0 : i32
      %dma_start3A_371 = tpu.memref_slice %arg9[%dma_start3A_369, %dma_start3A_370] : memref<200x128xf32, #tpu.memory_space<vmem>> -> memref<128x128xf32, #tpu.memory_space<vmem>>
      %dma_start3A_372 = arith.constant 0 : i32
      %dma_start3A_373 = arith.constant 0 : i32
      %dma_start3A_374 = tpu.memref_slice %arg5[%add3A_368, %dma_start3A_372, %dma_start3A_373] : memref<1024x200x128xf32, #tpu.memory_space<hbm>> -> memref<1x128x128xf32, #tpu.memory_space<hbm>>
      %dma_start3A_375 = tpu.memref_squeeze %dma_start3A_374 : memref<1x128x128xf32, #tpu.memory_space<hbm>> -> memref<128x128xf32, #tpu.memory_space<hbm>>
      %dma_start3A_376 = arith.constant 0 : i32
      %dma_start3A_377 = arith.constant 0 : i32
      %dma_start3A_378 = tpu.memref_slice %arg5[%add3A_368, %dma_start3A_376, %dma_start3A_377] : memref<1024x200x128xf32, #tpu.memory_space<hbm>> -> memref<1x128x128xf32, #tpu.memory_space<hbm>>
      %dma_start3A_379 = tpu.memref_squeeze %dma_start3A_378 : memref<1x128x128xf32, #tpu.memory_space<hbm>> -> memref<128x128xf32, #tpu.memory_space<hbm>>
      %dma_start3A_380 = arith.constant 0 : i32
      %dma_start3A_381 = arith.constant 0 : i32
      %dma_start3A_382 = tpu.memref_slice %arg9[%dma_start3A_380, %dma_start3A_381] : memref<200x128xf32, #tpu.memory_space<vmem>> -> memref<128x128xf32, #tpu.memory_space<vmem>>
      tpu.enqueue_dma source(%dma_start3A_382 : memref<128x128xf32, #tpu.memory_space<vmem>>) target(%dma_start3A_379 : memref<128x128xf32, #tpu.memory_space<hbm>>) target_semaphore(%arg15 : memref<!tpu.dma_semaphore, #tpu.memory_space<semaphore_mem>>)
      %gt3A_383 = arith.constant 0 : i32
      %gt3A_384 = arith.cmpi sgt, %add3A_353, %gt3A_383 : i32
      %convert_element_type3A_385 = arith.extui %gt3A_384 : i1 to i32
      %cond3A_386 = arith.constant 0 : i32
      %cond3A_387 = arith.cmpi ne, %convert_element_type3A_385, %cond3A_386 : i32
      scf.if %cond3A_387 {
        %sub3A = arith.constant 1 : i32
        %sub3A_522 = arith.subi %add3A_353, %sub3A : i32
        %add3A_523 = arith.addi %mul3A_2, %sub3A_522 : i32
        %dma_wait3A_524 = arith.constant 0 : i32
        %dma_wait3A_525 = arith.constant 0 : i32
        %dma_wait3A_526 = tpu.memref_slice %arg8[%dma_wait3A_524, %dma_wait3A_525] : memref<200x128xf32, #tpu.memory_space<vmem>> -> memref<128x128xf32, #tpu.memory_space<vmem>>
        %dma_wait3A_527 = arith.constant 0 : i32
        %dma_wait3A_528 = arith.constant 0 : i32
        %dma_wait3A_529 = tpu.memref_slice %arg5[%add3A_523, %dma_wait3A_527, %dma_wait3A_528] : memref<1024x200x128xf32, #tpu.memory_space<hbm>> -> memref<1x128x128xf32, #tpu.memory_space<hbm>>
        %dma_wait3A_530 = tpu.memref_squeeze %dma_wait3A_529 : memref<1x128x128xf32, #tpu.memory_space<hbm>> -> memref<128x128xf32, #tpu.memory_space<hbm>>
        %dma_wait3A_531 = arith.constant 0 : i32
        %dma_wait3A_532 = arith.constant 0 : i32
        %dma_wait3A_533 = tpu.memref_slice %arg5[%add3A_523, %dma_wait3A_531, %dma_wait3A_532] : memref<1024x200x128xf32, #tpu.memory_space<hbm>> -> memref<1x128x128xf32, #tpu.memory_space<hbm>>
        %dma_wait3A_534 = tpu.memref_squeeze %dma_wait3A_533 : memref<1x128x128xf32, #tpu.memory_space<hbm>> -> memref<128x128xf32, #tpu.memory_space<hbm>>
        %dma_wait3A_535 = arith.constant 0 : i32
        %dma_wait3A_536 = arith.constant 0 : i32
        %dma_wait3A_537 = tpu.memref_slice %arg8[%dma_wait3A_535, %dma_wait3A_536] : memref<200x128xf32, #tpu.memory_space<vmem>> -> memref<128x128xf32, #tpu.memory_space<vmem>>
        tpu.wait_dma2 semaphore(%arg14 : memref<!tpu.dma_semaphore, #tpu.memory_space<semaphore_mem>>) src(%dma_wait3A_537 : memref<128x128xf32, #tpu.memory_space<vmem>>) dst(%dma_wait3A_534 : memref<128x128xf32, #tpu.memory_space<hbm>>)
        %add3A_538 = arith.addi %mul3A_2, %sub3A_522 : i32
        %dma_wait3A_539 = arith.constant 128 : i32
        %dma_wait3A_540 = arith.constant 0 : i32
        %dma_wait3A_541 = tpu.memref_slice %arg8[%dma_wait3A_539, %dma_wait3A_540] : memref<200x128xf32, #tpu.memory_space<vmem>> -> memref<72x128xf32, #tpu.memory_space<vmem>>
        %dma_wait3A_542 = arith.constant 128 : i32
        %dma_wait3A_543 = arith.constant 0 : i32
        %dma_wait3A_544 = tpu.memref_slice %arg5[%add3A_538, %dma_wait3A_542, %dma_wait3A_543] : memref<1024x200x128xf32, #tpu.memory_space<hbm>> -> memref<1x72x128xf32, #tpu.memory_space<hbm>>
        %dma_wait3A_545 = tpu.memref_squeeze %dma_wait3A_544 : memref<1x72x128xf32, #tpu.memory_space<hbm>> -> memref<72x128xf32, #tpu.memory_space<hbm>>
        %dma_wait3A_546 = arith.constant 128 : i32
        %dma_wait3A_547 = arith.constant 0 : i32
        %dma_wait3A_548 = tpu.memref_slice %arg5[%add3A_538, %dma_wait3A_546, %dma_wait3A_547] : memref<1024x200x128xf32, #tpu.memory_space<hbm>> -> memref<1x72x128xf32, #tpu.memory_space<hbm>>
        %dma_wait3A_549 = tpu.memref_squeeze %dma_wait3A_548 : memref<1x72x128xf32, #tpu.memory_space<hbm>> -> memref<72x128xf32, #tpu.memory_space<hbm>>
        %dma_wait3A_550 = arith.constant 128 : i32
        %dma_wait3A_551 = arith.constant 0 : i32
        %dma_wait3A_552 = tpu.memref_slice %arg8[%dma_wait3A_550, %dma_wait3A_551] : memref<200x128xf32, #tpu.memory_space<vmem>> -> memref<72x128xf32, #tpu.memory_space<vmem>>
        tpu.wait_dma2 semaphore(%arg14 : memref<!tpu.dma_semaphore, #tpu.memory_space<semaphore_mem>>) src(%dma_wait3A_552 : memref<72x128xf32, #tpu.memory_space<vmem>>) dst(%dma_wait3A_549 : memref<72x128xf32, #tpu.memory_space<hbm>>)
      } else {
      }
      %add3A_388 = arith.constant 2 : i32
      %add3A_389 = arith.addi %add3A_353, %add3A_388 : i32
      %dma_start3A_390 = arith.constant 0 : i32
      %dma_start3A_391 = arith.constant 0 : i32
      %dma_start3A_392 = tpu.memref_slice %arg8[%dma_start3A_390, %dma_start3A_391] : memref<200x128xf32, #tpu.memory_space<vmem>> -> memref<128x128xf32, #tpu.memory_space<vmem>>
      %dma_start3A_393 = arith.constant 0 : i32
      %dma_start3A_394 = tpu.memref_slice %arg6[%add3A_389, %dma_start3A_393] : memref<32x200xi32, #tpu.memory_space<vmem>> -> memref<1x128xi32, #tpu.memory_space<vmem>>
      %dma_start3A_395 = tpu.memref_squeeze %dma_start3A_394 : memref<1x128xi32, #tpu.memory_space<vmem>> -> memref<128xi32, #tpu.memory_space<vmem>>
      %dma_start3A_396 = arith.constant 0 : i32
      %dma_start3A_397 = arith.constant 0 : i32
      %dma_start3A_398 = tpu.memref_slice %arg3[%dma_start3A_396, %dma_start3A_397] : memref<100000x128xf32, #tpu.memory_space<hbm>> -> memref<100000x128xf32, #tpu.memory_space<hbm>>
      tpu.enqueue_indirect_dma source(%dma_start3A_398 : memref<100000x128xf32, #tpu.memory_space<hbm>>) target(%dma_start3A_392 : memref<128x128xf32, #tpu.memory_space<vmem>>) offsets(%dma_start3A_395 : memref<128xi32, #tpu.memory_space<vmem>>) semaphore(%arg11 : memref<!tpu.dma_semaphore, #tpu.memory_space<semaphore_mem>>)
      %dma_start3A_399 = arith.constant 128 : i32
      %dma_start3A_400 = arith.constant 0 : i32
      %dma_start3A_401 = tpu.memref_slice %arg8[%dma_start3A_399, %dma_start3A_400] : memref<200x128xf32, #tpu.memory_space<vmem>> -> memref<72x128xf32, #tpu.memory_space<vmem>>
      %dma_start3A_402 = arith.constant 128 : i32
      %dma_start3A_403 = tpu.memref_slice %arg6[%add3A_389, %dma_start3A_402] : memref<32x200xi32, #tpu.memory_space<vmem>> -> memref<1x72xi32, #tpu.memory_space<vmem>>
      %dma_start3A_404 = tpu.memref_squeeze %dma_start3A_403 : memref<1x72xi32, #tpu.memory_space<vmem>> -> memref<72xi32, #tpu.memory_space<vmem>>
      %dma_start3A_405 = arith.constant 0 : i32
      %dma_start3A_406 = arith.constant 0 : i32
      %dma_start3A_407 = tpu.memref_slice %arg3[%dma_start3A_405, %dma_start3A_406] : memref<100000x128xf32, #tpu.memory_space<hbm>> -> memref<100000x128xf32, #tpu.memory_space<hbm>>
      tpu.enqueue_indirect_dma source(%dma_start3A_407 : memref<100000x128xf32, #tpu.memory_space<hbm>>) target(%dma_start3A_401 : memref<72x128xf32, #tpu.memory_space<vmem>>) offsets(%dma_start3A_404 : memref<72xi32, #tpu.memory_space<vmem>>) semaphore(%arg11 : memref<!tpu.dma_semaphore, #tpu.memory_space<semaphore_mem>>)
      %dma_wait3A_408 = arith.constant 128 : i32
      %dma_wait3A_409 = arith.constant 0 : i32
      %dma_wait3A_410 = tpu.memref_slice %arg9[%dma_wait3A_408, %dma_wait3A_409] : memref<200x128xf32, #tpu.memory_space<vmem>> -> memref<72x128xf32, #tpu.memory_space<vmem>>
      %dma_wait3A_411 = arith.constant 128 : i32
      %dma_wait3A_412 = tpu.memref_slice %arg6[%add3A_353, %dma_wait3A_411] : memref<32x200xi32, #tpu.memory_space<vmem>> -> memref<1x72xi32, #tpu.memory_space<vmem>>
      %dma_wait3A_413 = tpu.memref_squeeze %dma_wait3A_412 : memref<1x72xi32, #tpu.memory_space<vmem>> -> memref<72xi32, #tpu.memory_space<vmem>>
      %dma_wait3A_414 = arith.constant 0 : i32
      %dma_wait3A_415 = arith.constant 0 : i32
      %dma_wait3A_416 = tpu.memref_slice %arg3[%dma_wait3A_414, %dma_wait3A_415] : memref<100000x128xf32, #tpu.memory_space<hbm>> -> memref<100000x128xf32, #tpu.memory_space<hbm>>
      tpu.wait_indirect_dma semaphore(%arg12 : memref<!tpu.dma_semaphore, #tpu.memory_space<semaphore_mem>>) src(%dma_wait3A_416 : memref<100000x128xf32, #tpu.memory_space<hbm>>) dst(%dma_wait3A_410 : memref<72x128xf32, #tpu.memory_space<vmem>>)
      %scan3A_417 = arith.constant 0 : i32
      %scan3A_418 = arith.constant 72 : i32
      %scan3A_419 = arith.addi %scan3A_417, %scan3A_418 : i32
      %scan3A_420 = arith.constant 1 : i32
      scf.for %scan3A_522 = %scan3A_417 to %scan3A_419 step %scan3A_420  : i32 {
        %mul3A_523 = arith.constant 1 : i32
        %mul3A_524 = arith.muli %scan3A_522, %mul3A_523 : i32
        %add3A_525 = arith.constant 128 : i32
        %add3A_526 = arith.addi %add3A_525, %mul3A_524 : i32
        %get3A = arith.index_cast %add3A_526 : i32 to index
        %get3A_527 = arith.constant 0 : index
        %get3A_528 = tpu.vector_load %arg7[%get3A, %get3A_527] {strides = array<i32>} : memref<200x128xf32, #tpu.memory_space<vmem>>, vector<1x16xf32>,
        %get3A_529 = vector.shape_cast %get3A_528 : vector<1x16xf32> to vector<16xf32>
        %swap3A = arith.index_cast %add3A_526 : i32 to index
        %swap3A_530 = arith.constant 0 : index
        %swap3A_531 = tpu.vector_load %arg9[%swap3A, %swap3A_530] {strides = array<i32>} : memref<200x128xf32, #tpu.memory_space<vmem>>, vector<1x16xf32>,
        %swap3A_532 = vector.shape_cast %swap3A_531 : vector<1x16xf32> to vector<16xf32>
        %swap3A_533 = vector.shape_cast %get3A_529 : vector<16xf32> to vector<1x16xf32>
        tpu.vector_store %arg9[%swap3A, %swap3A_530], %swap3A_533 {add = true, strides = array<i32>} : memref<200x128xf32, #tpu.memory_space<vmem>>, vector<1x16xf32>,
        %get3A_534 = arith.index_cast %add3A_526 : i32 to index
        %get3A_535 = arith.constant 16 : index
        %get3A_536 = tpu.vector_load %arg7[%get3A_534, %get3A_535] {strides = array<i32>} : memref<200x128xf32, #tpu.memory_space<vmem>>, vector<1x16xf32>,
        %get3A_537 = vector.shape_cast %get3A_536 : vector<1x16xf32> to vector<16xf32>
        %swap3A_538 = arith.index_cast %add3A_526 : i32 to index
        %swap3A_539 = arith.constant 16 : index
        %swap3A_540 = tpu.vector_load %arg9[%swap3A_538, %swap3A_539] {strides = array<i32>} : memref<200x128xf32, #tpu.memory_space<vmem>>, vector<1x16xf32>,
        %swap3A_541 = vector.shape_cast %swap3A_540 : vector<1x16xf32> to vector<16xf32>
        %swap3A_542 = vector.shape_cast %get3A_537 : vector<16xf32> to vector<1x16xf32>
        tpu.vector_store %arg9[%swap3A_538, %swap3A_539], %swap3A_542 {add = true, strides = array<i32>} : memref<200x128xf32, #tpu.memory_space<vmem>>, vector<1x16xf32>,
        %get3A_543 = arith.index_cast %add3A_526 : i32 to index
        %get3A_544 = arith.constant 32 : index
        %get3A_545 = tpu.vector_load %arg7[%get3A_543, %get3A_544] {strides = array<i32>} : memref<200x128xf32, #tpu.memory_space<vmem>>, vector<1x16xf32>,
        %get3A_546 = vector.shape_cast %get3A_545 : vector<1x16xf32> to vector<16xf32>
        %swap3A_547 = arith.index_cast %add3A_526 : i32 to index
        %swap3A_548 = arith.constant 32 : index
        %swap3A_549 = tpu.vector_load %arg9[%swap3A_547, %swap3A_548] {strides = array<i32>} : memref<200x128xf32, #tpu.memory_space<vmem>>, vector<1x16xf32>,
        %swap3A_550 = vector.shape_cast %swap3A_549 : vector<1x16xf32> to vector<16xf32>
        %swap3A_551 = vector.shape_cast %get3A_546 : vector<16xf32> to vector<1x16xf32>
        tpu.vector_store %arg9[%swap3A_547, %swap3A_548], %swap3A_551 {add = true, strides = array<i32>} : memref<200x128xf32, #tpu.memory_space<vmem>>, vector<1x16xf32>,
        %get3A_552 = arith.index_cast %add3A_526 : i32 to index
        %get3A_553 = arith.constant 48 : index
        %get3A_554 = tpu.vector_load %arg7[%get3A_552, %get3A_553] {strides = array<i32>} : memref<200x128xf32, #tpu.memory_space<vmem>>, vector<1x16xf32>,
        %get3A_555 = vector.shape_cast %get3A_554 : vector<1x16xf32> to vector<16xf32>
        %swap3A_556 = arith.index_cast %add3A_526 : i32 to index
        %swap3A_557 = arith.constant 48 : index
        %swap3A_558 = tpu.vector_load %arg9[%swap3A_556, %swap3A_557] {strides = array<i32>} : memref<200x128xf32, #tpu.memory_space<vmem>>, vector<1x16xf32>,
        %swap3A_559 = vector.shape_cast %swap3A_558 : vector<1x16xf32> to vector<16xf32>
        %swap3A_560 = vector.shape_cast %get3A_555 : vector<16xf32> to vector<1x16xf32>
        tpu.vector_store %arg9[%swap3A_556, %swap3A_557], %swap3A_560 {add = true, strides = array<i32>} : memref<200x128xf32, #tpu.memory_space<vmem>>, vector<1x16xf32>,
        %get3A_561 = arith.index_cast %add3A_526 : i32 to index
        %get3A_562 = arith.constant 64 : index
        %get3A_563 = tpu.vector_load %arg7[%get3A_561, %get3A_562] {strides = array<i32>} : memref<200x128xf32, #tpu.memory_space<vmem>>, vector<1x16xf32>,
        %get3A_564 = vector.shape_cast %get3A_563 : vector<1x16xf32> to vector<16xf32>
        %swap3A_565 = arith.index_cast %add3A_526 : i32 to index
        %swap3A_566 = arith.constant 64 : index
        %swap3A_567 = tpu.vector_load %arg9[%swap3A_565, %swap3A_566] {strides = array<i32>} : memref<200x128xf32, #tpu.memory_space<vmem>>, vector<1x16xf32>,
        %swap3A_568 = vector.shape_cast %swap3A_567 : vector<1x16xf32> to vector<16xf32>
        %swap3A_569 = vector.shape_cast %get3A_564 : vector<16xf32> to vector<1x16xf32>
        tpu.vector_store %arg9[%swap3A_565, %swap3A_566], %swap3A_569 {add = true, strides = array<i32>} : memref<200x128xf32, #tpu.memory_space<vmem>>, vector<1x16xf32>,
        %get3A_570 = arith.index_cast %add3A_526 : i32 to index
        %get3A_571 = arith.constant 80 : index
        %get3A_572 = tpu.vector_load %arg7[%get3A_570, %get3A_571] {strides = array<i32>} : memref<200x128xf32, #tpu.memory_space<vmem>>, vector<1x16xf32>,
        %get3A_573 = vector.shape_cast %get3A_572 : vector<1x16xf32> to vector<16xf32>
        %swap3A_574 = arith.index_cast %add3A_526 : i32 to index
        %swap3A_575 = arith.constant 80 : index
        %swap3A_576 = tpu.vector_load %arg9[%swap3A_574, %swap3A_575] {strides = array<i32>} : memref<200x128xf32, #tpu.memory_space<vmem>>, vector<1x16xf32>,
        %swap3A_577 = vector.shape_cast %swap3A_576 : vector<1x16xf32> to vector<16xf32>
        %swap3A_578 = vector.shape_cast %get3A_573 : vector<16xf32> to vector<1x16xf32>
        tpu.vector_store %arg9[%swap3A_574, %swap3A_575], %swap3A_578 {add = true, strides = array<i32>} : memref<200x128xf32, #tpu.memory_space<vmem>>, vector<1x16xf32>,
        %get3A_579 = arith.index_cast %add3A_526 : i32 to index
        %get3A_580 = arith.constant 96 : index
        %get3A_581 = tpu.vector_load %arg7[%get3A_579, %get3A_580] {strides = array<i32>} : memref<200x128xf32, #tpu.memory_space<vmem>>, vector<1x16xf32>,
        %get3A_582 = vector.shape_cast %get3A_581 : vector<1x16xf32> to vector<16xf32>
        %swap3A_583 = arith.index_cast %add3A_526 : i32 to index
        %swap3A_584 = arith.constant 96 : index
        %swap3A_585 = tpu.vector_load %arg9[%swap3A_583, %swap3A_584] {strides = array<i32>} : memref<200x128xf32, #tpu.memory_space<vmem>>, vector<1x16xf32>,
        %swap3A_586 = vector.shape_cast %swap3A_585 : vector<1x16xf32> to vector<16xf32>
        %swap3A_587 = vector.shape_cast %get3A_582 : vector<16xf32> to vector<1x16xf32>
        tpu.vector_store %arg9[%swap3A_583, %swap3A_584], %swap3A_587 {add = true, strides = array<i32>} : memref<200x128xf32, #tpu.memory_space<vmem>>, vector<1x16xf32>,
        %get3A_588 = arith.index_cast %add3A_526 : i32 to index
        %get3A_589 = arith.constant 112 : index
        %get3A_590 = tpu.vector_load %arg7[%get3A_588, %get3A_589] {strides = array<i32>} : memref<200x128xf32, #tpu.memory_space<vmem>>, vector<1x16xf32>,
        %get3A_591 = vector.shape_cast %get3A_590 : vector<1x16xf32> to vector<16xf32>
        %swap3A_592 = arith.index_cast %add3A_526 : i32 to index
        %swap3A_593 = arith.constant 112 : index
        %swap3A_594 = tpu.vector_load %arg9[%swap3A_592, %swap3A_593] {strides = array<i32>} : memref<200x128xf32, #tpu.memory_space<vmem>>, vector<1x16xf32>,
        %swap3A_595 = vector.shape_cast %swap3A_594 : vector<1x16xf32> to vector<16xf32>
        %swap3A_596 = vector.shape_cast %get3A_591 : vector<16xf32> to vector<1x16xf32>
        tpu.vector_store %arg9[%swap3A_592, %swap3A_593], %swap3A_596 {add = true, strides = array<i32>} : memref<200x128xf32, #tpu.memory_space<vmem>>, vector<1x16xf32>,
      }
      %scan3A_421 = arith.constant 72 : i32
      %add3A_422 = arith.addi %mul3A_2, %add3A_353 : i32
      %dma_start3A_423 = arith.constant 128 : i32
      %dma_start3A_424 = arith.constant 0 : i32
      %dma_start3A_425 = tpu.memref_slice %arg9[%dma_start3A_423, %dma_start3A_424] : memref<200x128xf32, #tpu.memory_space<vmem>> -> memref<72x128xf32, #tpu.memory_space<vmem>>
      %dma_start3A_426 = arith.constant 128 : i32
      %dma_start3A_427 = arith.constant 0 : i32
      %dma_start3A_428 = tpu.memref_slice %arg5[%add3A_422, %dma_start3A_426, %dma_start3A_427] : memref<1024x200x128xf32, #tpu.memory_space<hbm>> -> memref<1x72x128xf32, #tpu.memory_space<hbm>>
      %dma_start3A_429 = tpu.memref_squeeze %dma_start3A_428 : memref<1x72x128xf32, #tpu.memory_space<hbm>> -> memref<72x128xf32, #tpu.memory_space<hbm>>
      %dma_start3A_430 = arith.constant 128 : i32
      %dma_start3A_431 = arith.constant 0 : i32
      %dma_start3A_432 = tpu.memref_slice %arg5[%add3A_422, %dma_start3A_430, %dma_start3A_431] : memref<1024x200x128xf32, #tpu.memory_space<hbm>> -> memref<1x72x128xf32, #tpu.memory_space<hbm>>
      %dma_start3A_433 = tpu.memref_squeeze %dma_start3A_432 : memref<1x72x128xf32, #tpu.memory_space<hbm>> -> memref<72x128xf32, #tpu.memory_space<hbm>>
      %dma_start3A_434 = arith.constant 128 : i32
      %dma_start3A_435 = arith.constant 0 : i32
      %dma_start3A_436 = tpu.memref_slice %arg9[%dma_start3A_434, %dma_start3A_435] : memref<200x128xf32, #tpu.memory_space<vmem>> -> memref<72x128xf32, #tpu.memory_space<vmem>>
      tpu.enqueue_dma source(%dma_start3A_436 : memref<72x128xf32, #tpu.memory_space<vmem>>) target(%dma_start3A_433 : memref<72x128xf32, #tpu.memory_space<hbm>>) target_semaphore(%arg15 : memref<!tpu.dma_semaphore, #tpu.memory_space<semaphore_mem>>)
      %add3A_437 = arith.constant 2 : i32
      %add3A_438 = arith.addi %add3A_269, %add3A_437 : i32
      %dma_wait3A_439 = arith.constant 0 : i32
      %dma_wait3A_440 = arith.constant 0 : i32
      %dma_wait3A_441 = tpu.memref_slice %arg10[%dma_wait3A_439, %dma_wait3A_440] : memref<200x128xf32, #tpu.memory_space<vmem>> -> memref<128x128xf32, #tpu.memory_space<vmem>>
      %dma_wait3A_442 = arith.constant 0 : i32
      %dma_wait3A_443 = tpu.memref_slice %arg6[%add3A_438, %dma_wait3A_442] : memref<32x200xi32, #tpu.memory_space<vmem>> -> memref<1x128xi32, #tpu.memory_space<vmem>>
      %dma_wait3A_444 = tpu.memref_squeeze %dma_wait3A_443 : memref<1x128xi32, #tpu.memory_space<vmem>> -> memref<128xi32, #tpu.memory_space<vmem>>
      %dma_wait3A_445 = arith.constant 0 : i32
      %dma_wait3A_446 = arith.constant 0 : i32
      %dma_wait3A_447 = tpu.memref_slice %arg3[%dma_wait3A_445, %dma_wait3A_446] : memref<100000x128xf32, #tpu.memory_space<hbm>> -> memref<100000x128xf32, #tpu.memory_space<hbm>>
      tpu.wait_indirect_dma semaphore(%arg13 : memref<!tpu.dma_semaphore, #tpu.memory_space<semaphore_mem>>) src(%dma_wait3A_447 : memref<100000x128xf32, #tpu.memory_space<hbm>>) dst(%dma_wait3A_441 : memref<128x128xf32, #tpu.memory_space<vmem>>)
      %scan3A_448 = arith.constant 0 : i32
      %scan3A_449 = arith.constant 128 : i32
      %scan3A_450 = arith.addi %scan3A_448, %scan3A_449 : i32
      %scan3A_451 = arith.constant 1 : i32
      scf.for %scan3A_522 = %scan3A_448 to %scan3A_450 step %scan3A_451  : i32 {
        %mul3A_523 = arith.constant 1 : i32
        %mul3A_524 = arith.muli %scan3A_522, %mul3A_523 : i32
        %add3A_525 = arith.constant 0 : i32
        %add3A_526 = arith.addi %add3A_525, %mul3A_524 : i32
        %get3A = arith.index_cast %add3A_526 : i32 to index
        %get3A_527 = arith.constant 0 : index
        %get3A_528 = tpu.vector_load %arg7[%get3A, %get3A_527] {strides = array<i32>} : memref<200x128xf32, #tpu.memory_space<vmem>>, vector<1x16xf32>,
        %get3A_529 = vector.shape_cast %get3A_528 : vector<1x16xf32> to vector<16xf32>
        %swap3A = arith.index_cast %add3A_526 : i32 to index
        %swap3A_530 = arith.constant 0 : index
        %swap3A_531 = tpu.vector_load %arg10[%swap3A, %swap3A_530] {strides = array<i32>} : memref<200x128xf32, #tpu.memory_space<vmem>>, vector<1x16xf32>,
        %swap3A_532 = vector.shape_cast %swap3A_531 : vector<1x16xf32> to vector<16xf32>
        %swap3A_533 = vector.shape_cast %get3A_529 : vector<16xf32> to vector<1x16xf32>
        tpu.vector_store %arg10[%swap3A, %swap3A_530], %swap3A_533 {add = true, strides = array<i32>} : memref<200x128xf32, #tpu.memory_space<vmem>>, vector<1x16xf32>,
        %get3A_534 = arith.index_cast %add3A_526 : i32 to index
        %get3A_535 = arith.constant 16 : index
        %get3A_536 = tpu.vector_load %arg7[%get3A_534, %get3A_535] {strides = array<i32>} : memref<200x128xf32, #tpu.memory_space<vmem>>, vector<1x16xf32>,
        %get3A_537 = vector.shape_cast %get3A_536 : vector<1x16xf32> to vector<16xf32>
        %swap3A_538 = arith.index_cast %add3A_526 : i32 to index
        %swap3A_539 = arith.constant 16 : index
        %swap3A_540 = tpu.vector_load %arg10[%swap3A_538, %swap3A_539] {strides = array<i32>} : memref<200x128xf32, #tpu.memory_space<vmem>>, vector<1x16xf32>,
        %swap3A_541 = vector.shape_cast %swap3A_540 : vector<1x16xf32> to vector<16xf32>
        %swap3A_542 = vector.shape_cast %get3A_537 : vector<16xf32> to vector<1x16xf32>
        tpu.vector_store %arg10[%swap3A_538, %swap3A_539], %swap3A_542 {add = true, strides = array<i32>} : memref<200x128xf32, #tpu.memory_space<vmem>>, vector<1x16xf32>,
        %get3A_543 = arith.index_cast %add3A_526 : i32 to index
        %get3A_544 = arith.constant 32 : index
        %get3A_545 = tpu.vector_load %arg7[%get3A_543, %get3A_544] {strides = array<i32>} : memref<200x128xf32, #tpu.memory_space<vmem>>, vector<1x16xf32>,
        %get3A_546 = vector.shape_cast %get3A_545 : vector<1x16xf32> to vector<16xf32>
        %swap3A_547 = arith.index_cast %add3A_526 : i32 to index
        %swap3A_548 = arith.constant 32 : index
        %swap3A_549 = tpu.vector_load %arg10[%swap3A_547, %swap3A_548] {strides = array<i32>} : memref<200x128xf32, #tpu.memory_space<vmem>>, vector<1x16xf32>,
        %swap3A_550 = vector.shape_cast %swap3A_549 : vector<1x16xf32> to vector<16xf32>
        %swap3A_551 = vector.shape_cast %get3A_546 : vector<16xf32> to vector<1x16xf32>
        tpu.vector_store %arg10[%swap3A_547, %swap3A_548], %swap3A_551 {add = true, strides = array<i32>} : memref<200x128xf32, #tpu.memory_space<vmem>>, vector<1x16xf32>,
        %get3A_552 = arith.index_cast %add3A_526 : i32 to index
        %get3A_553 = arith.constant 48 : index
        %get3A_554 = tpu.vector_load %arg7[%get3A_552, %get3A_553] {strides = array<i32>} : memref<200x128xf32, #tpu.memory_space<vmem>>, vector<1x16xf32>,
        %get3A_555 = vector.shape_cast %get3A_554 : vector<1x16xf32> to vector<16xf32>
        %swap3A_556 = arith.index_cast %add3A_526 : i32 to index
        %swap3A_557 = arith.constant 48 : index
        %swap3A_558 = tpu.vector_load %arg10[%swap3A_556, %swap3A_557] {strides = array<i32>} : memref<200x128xf32, #tpu.memory_space<vmem>>, vector<1x16xf32>,
        %swap3A_559 = vector.shape_cast %swap3A_558 : vector<1x16xf32> to vector<16xf32>
        %swap3A_560 = vector.shape_cast %get3A_555 : vector<16xf32> to vector<1x16xf32>
        tpu.vector_store %arg10[%swap3A_556, %swap3A_557], %swap3A_560 {add = true, strides = array<i32>} : memref<200x128xf32, #tpu.memory_space<vmem>>, vector<1x16xf32>,
        %get3A_561 = arith.index_cast %add3A_526 : i32 to index
        %get3A_562 = arith.constant 64 : index
        %get3A_563 = tpu.vector_load %arg7[%get3A_561, %get3A_562] {strides = array<i32>} : memref<200x128xf32, #tpu.memory_space<vmem>>, vector<1x16xf32>,
        %get3A_564 = vector.shape_cast %get3A_563 : vector<1x16xf32> to vector<16xf32>
        %swap3A_565 = arith.index_cast %add3A_526 : i32 to index
        %swap3A_566 = arith.constant 64 : index
        %swap3A_567 = tpu.vector_load %arg10[%swap3A_565, %swap3A_566] {strides = array<i32>} : memref<200x128xf32, #tpu.memory_space<vmem>>, vector<1x16xf32>,
        %swap3A_568 = vector.shape_cast %swap3A_567 : vector<1x16xf32> to vector<16xf32>
        %swap3A_569 = vector.shape_cast %get3A_564 : vector<16xf32> to vector<1x16xf32>
        tpu.vector_store %arg10[%swap3A_565, %swap3A_566], %swap3A_569 {add = true, strides = array<i32>} : memref<200x128xf32, #tpu.memory_space<vmem>>, vector<1x16xf32>,
        %get3A_570 = arith.index_cast %add3A_526 : i32 to index
        %get3A_571 = arith.constant 80 : index
        %get3A_572 = tpu.vector_load %arg7[%get3A_570, %get3A_571] {strides = array<i32>} : memref<200x128xf32, #tpu.memory_space<vmem>>, vector<1x16xf32>,
        %get3A_573 = vector.shape_cast %get3A_572 : vector<1x16xf32> to vector<16xf32>
        %swap3A_574 = arith.index_cast %add3A_526 : i32 to index
        %swap3A_575 = arith.constant 80 : index
        %swap3A_576 = tpu.vector_load %arg10[%swap3A_574, %swap3A_575] {strides = array<i32>} : memref<200x128xf32, #tpu.memory_space<vmem>>, vector<1x16xf32>,
        %swap3A_577 = vector.shape_cast %swap3A_576 : vector<1x16xf32> to vector<16xf32>
        %swap3A_578 = vector.shape_cast %get3A_573 : vector<16xf32> to vector<1x16xf32>
        tpu.vector_store %arg10[%swap3A_574, %swap3A_575], %swap3A_578 {add = true, strides = array<i32>} : memref<200x128xf32, #tpu.memory_space<vmem>>, vector<1x16xf32>,
        %get3A_579 = arith.index_cast %add3A_526 : i32 to index
        %get3A_580 = arith.constant 96 : index
        %get3A_581 = tpu.vector_load %arg7[%get3A_579, %get3A_580] {strides = array<i32>} : memref<200x128xf32, #tpu.memory_space<vmem>>, vector<1x16xf32>,
        %get3A_582 = vector.shape_cast %get3A_581 : vector<1x16xf32> to vector<16xf32>
        %swap3A_583 = arith.index_cast %add3A_526 : i32 to index
        %swap3A_584 = arith.constant 96 : index
        %swap3A_585 = tpu.vector_load %arg10[%swap3A_583, %swap3A_584] {strides = array<i32>} : memref<200x128xf32, #tpu.memory_space<vmem>>, vector<1x16xf32>,
        %swap3A_586 = vector.shape_cast %swap3A_585 : vector<1x16xf32> to vector<16xf32>
        %swap3A_587 = vector.shape_cast %get3A_582 : vector<16xf32> to vector<1x16xf32>
        tpu.vector_store %arg10[%swap3A_583, %swap3A_584], %swap3A_587 {add = true, strides = array<i32>} : memref<200x128xf32, #tpu.memory_space<vmem>>, vector<1x16xf32>,
        %get3A_588 = arith.index_cast %add3A_526 : i32 to index
        %get3A_589 = arith.constant 112 : index
        %get3A_590 = tpu.vector_load %arg7[%get3A_588, %get3A_589] {strides = array<i32>} : memref<200x128xf32, #tpu.memory_space<vmem>>, vector<1x16xf32>,
        %get3A_591 = vector.shape_cast %get3A_590 : vector<1x16xf32> to vector<16xf32>
        %swap3A_592 = arith.index_cast %add3A_526 : i32 to index
        %swap3A_593 = arith.constant 112 : index
        %swap3A_594 = tpu.vector_load %arg10[%swap3A_592, %swap3A_593] {strides = array<i32>} : memref<200x128xf32, #tpu.memory_space<vmem>>, vector<1x16xf32>,
        %swap3A_595 = vector.shape_cast %swap3A_594 : vector<1x16xf32> to vector<16xf32>
        %swap3A_596 = vector.shape_cast %get3A_591 : vector<16xf32> to vector<1x16xf32>
        tpu.vector_store %arg10[%swap3A_592, %swap3A_593], %swap3A_596 {add = true, strides = array<i32>} : memref<200x128xf32, #tpu.memory_space<vmem>>, vector<1x16xf32>,
      }
      %scan3A_452 = arith.constant 128 : i32
      %add3A_453 = arith.addi %mul3A_2, %add3A_438 : i32
      %dma_start3A_454 = arith.constant 0 : i32
      %dma_start3A_455 = arith.constant 0 : i32
      %dma_start3A_456 = tpu.memref_slice %arg10[%dma_start3A_454, %dma_start3A_455] : memref<200x128xf32, #tpu.memory_space<vmem>> -> memref<128x128xf32, #tpu.memory_space<vmem>>
      %dma_start3A_457 = arith.constant 0 : i32
      %dma_start3A_458 = arith.constant 0 : i32
      %dma_start3A_459 = tpu.memref_slice %arg5[%add3A_453, %dma_start3A_457, %dma_start3A_458] : memref<1024x200x128xf32, #tpu.memory_space<hbm>> -> memref<1x128x128xf32, #tpu.memory_space<hbm>>
      %dma_start3A_460 = tpu.memref_squeeze %dma_start3A_459 : memref<1x128x128xf32, #tpu.memory_space<hbm>> -> memref<128x128xf32, #tpu.memory_space<hbm>>
      %dma_start3A_461 = arith.constant 0 : i32
      %dma_start3A_462 = arith.constant 0 : i32
      %dma_start3A_463 = tpu.memref_slice %arg5[%add3A_453, %dma_start3A_461, %dma_start3A_462] : memref<1024x200x128xf32, #tpu.memory_space<hbm>> -> memref<1x128x128xf32, #tpu.memory_space<hbm>>
      %dma_start3A_464 = tpu.memref_squeeze %dma_start3A_463 : memref<1x128x128xf32, #tpu.memory_space<hbm>> -> memref<128x128xf32, #tpu.memory_space<hbm>>
      %dma_start3A_465 = arith.constant 0 : i32
      %dma_start3A_466 = arith.constant 0 : i32
      %dma_start3A_467 = tpu.memref_slice %arg10[%dma_start3A_465, %dma_start3A_466] : memref<200x128xf32, #tpu.memory_space<vmem>> -> memref<128x128xf32, #tpu.memory_space<vmem>>
      tpu.enqueue_dma source(%dma_start3A_467 : memref<128x128xf32, #tpu.memory_space<vmem>>) target(%dma_start3A_464 : memref<128x128xf32, #tpu.memory_space<hbm>>) target_semaphore(%arg16 : memref<!tpu.dma_semaphore, #tpu.memory_space<semaphore_mem>>)
      %gt3A_468 = arith.constant 0 : i32
      %gt3A_469 = arith.cmpi sgt, %add3A_438, %gt3A_468 : i32
      %convert_element_type3A_470 = arith.extui %gt3A_469 : i1 to i32
      %cond3A_471 = arith.constant 0 : i32
      %cond3A_472 = arith.cmpi ne, %convert_element_type3A_470, %cond3A_471 : i32
      scf.if %cond3A_472 {
        %sub3A = arith.constant 1 : i32
        %sub3A_522 = arith.subi %add3A_438, %sub3A : i32
        %add3A_523 = arith.addi %mul3A_2, %sub3A_522 : i32
        %dma_wait3A_524 = arith.constant 0 : i32
        %dma_wait3A_525 = arith.constant 0 : i32
        %dma_wait3A_526 = tpu.memref_slice %arg9[%dma_wait3A_524, %dma_wait3A_525] : memref<200x128xf32, #tpu.memory_space<vmem>> -> memref<128x128xf32, #tpu.memory_space<vmem>>
        %dma_wait3A_527 = arith.constant 0 : i32
        %dma_wait3A_528 = arith.constant 0 : i32
        %dma_wait3A_529 = tpu.memref_slice %arg5[%add3A_523, %dma_wait3A_527, %dma_wait3A_528] : memref<1024x200x128xf32, #tpu.memory_space<hbm>> -> memref<1x128x128xf32, #tpu.memory_space<hbm>>
        %dma_wait3A_530 = tpu.memref_squeeze %dma_wait3A_529 : memref<1x128x128xf32, #tpu.memory_space<hbm>> -> memref<128x128xf32, #tpu.memory_space<hbm>>
        %dma_wait3A_531 = arith.constant 0 : i32
        %dma_wait3A_532 = arith.constant 0 : i32
        %dma_wait3A_533 = tpu.memref_slice %arg5[%add3A_523, %dma_wait3A_531, %dma_wait3A_532] : memref<1024x200x128xf32, #tpu.memory_space<hbm>> -> memref<1x128x128xf32, #tpu.memory_space<hbm>>
        %dma_wait3A_534 = tpu.memref_squeeze %dma_wait3A_533 : memref<1x128x128xf32, #tpu.memory_space<hbm>> -> memref<128x128xf32, #tpu.memory_space<hbm>>
        %dma_wait3A_535 = arith.constant 0 : i32
        %dma_wait3A_536 = arith.constant 0 : i32
        %dma_wait3A_537 = tpu.memref_slice %arg9[%dma_wait3A_535, %dma_wait3A_536] : memref<200x128xf32, #tpu.memory_space<vmem>> -> memref<128x128xf32, #tpu.memory_space<vmem>>
        tpu.wait_dma2 semaphore(%arg15 : memref<!tpu.dma_semaphore, #tpu.memory_space<semaphore_mem>>) src(%dma_wait3A_537 : memref<128x128xf32, #tpu.memory_space<vmem>>) dst(%dma_wait3A_534 : memref<128x128xf32, #tpu.memory_space<hbm>>)
        %add3A_538 = arith.addi %mul3A_2, %sub3A_522 : i32
        %dma_wait3A_539 = arith.constant 128 : i32
        %dma_wait3A_540 = arith.constant 0 : i32
        %dma_wait3A_541 = tpu.memref_slice %arg9[%dma_wait3A_539, %dma_wait3A_540] : memref<200x128xf32, #tpu.memory_space<vmem>> -> memref<72x128xf32, #tpu.memory_space<vmem>>
        %dma_wait3A_542 = arith.constant 128 : i32
        %dma_wait3A_543 = arith.constant 0 : i32
        %dma_wait3A_544 = tpu.memref_slice %arg5[%add3A_538, %dma_wait3A_542, %dma_wait3A_543] : memref<1024x200x128xf32, #tpu.memory_space<hbm>> -> memref<1x72x128xf32, #tpu.memory_space<hbm>>
        %dma_wait3A_545 = tpu.memref_squeeze %dma_wait3A_544 : memref<1x72x128xf32, #tpu.memory_space<hbm>> -> memref<72x128xf32, #tpu.memory_space<hbm>>
        %dma_wait3A_546 = arith.constant 128 : i32
        %dma_wait3A_547 = arith.constant 0 : i32
        %dma_wait3A_548 = tpu.memref_slice %arg5[%add3A_538, %dma_wait3A_546, %dma_wait3A_547] : memref<1024x200x128xf32, #tpu.memory_space<hbm>> -> memref<1x72x128xf32, #tpu.memory_space<hbm>>
        %dma_wait3A_549 = tpu.memref_squeeze %dma_wait3A_548 : memref<1x72x128xf32, #tpu.memory_space<hbm>> -> memref<72x128xf32, #tpu.memory_space<hbm>>
        %dma_wait3A_550 = arith.constant 128 : i32
        %dma_wait3A_551 = arith.constant 0 : i32
        %dma_wait3A_552 = tpu.memref_slice %arg9[%dma_wait3A_550, %dma_wait3A_551] : memref<200x128xf32, #tpu.memory_space<vmem>> -> memref<72x128xf32, #tpu.memory_space<vmem>>
        tpu.wait_dma2 semaphore(%arg15 : memref<!tpu.dma_semaphore, #tpu.memory_space<semaphore_mem>>) src(%dma_wait3A_552 : memref<72x128xf32, #tpu.memory_space<vmem>>) dst(%dma_wait3A_549 : memref<72x128xf32, #tpu.memory_space<hbm>>)
      } else {
      }
      %add3A_473 = arith.constant 2 : i32
      %add3A_474 = arith.addi %add3A_438, %add3A_473 : i32
      %dma_start3A_475 = arith.constant 0 : i32
      %dma_start3A_476 = arith.constant 0 : i32
      %dma_start3A_477 = tpu.memref_slice %arg9[%dma_start3A_475, %dma_start3A_476] : memref<200x128xf32, #tpu.memory_space<vmem>> -> memref<128x128xf32, #tpu.memory_space<vmem>>
      %dma_start3A_478 = arith.constant 0 : i32
      %dma_start3A_479 = tpu.memref_slice %arg6[%add3A_474, %dma_start3A_478] : memref<32x200xi32, #tpu.memory_space<vmem>> -> memref<1x128xi32, #tpu.memory_space<vmem>>
      %dma_start3A_480 = tpu.memref_squeeze %dma_start3A_479 : memref<1x128xi32, #tpu.memory_space<vmem>> -> memref<128xi32, #tpu.memory_space<vmem>>
      %dma_start3A_481 = arith.constant 0 : i32
      %dma_start3A_482 = arith.constant 0 : i32
      %dma_start3A_483 = tpu.memref_slice %arg3[%dma_start3A_481, %dma_start3A_482] : memref<100000x128xf32, #tpu.memory_space<hbm>> -> memref<100000x128xf32, #tpu.memory_space<hbm>>
      tpu.enqueue_indirect_dma source(%dma_start3A_483 : memref<100000x128xf32, #tpu.memory_space<hbm>>) target(%dma_start3A_477 : memref<128x128xf32, #tpu.memory_space<vmem>>) offsets(%dma_start3A_480 : memref<128xi32, #tpu.memory_space<vmem>>) semaphore(%arg12 : memref<!tpu.dma_semaphore, #tpu.memory_space<semaphore_mem>>)
      %dma_start3A_484 = arith.constant 128 : i32
      %dma_start3A_485 = arith.constant 0 : i32
      %dma_start3A_486 = tpu.memref_slice %arg9[%dma_start3A_484, %dma_start3A_485] : memref<200x128xf32, #tpu.memory_space<vmem>> -> memref<72x128xf32, #tpu.memory_space<vmem>>
      %dma_start3A_487 = arith.constant 128 : i32
      %dma_start3A_488 = tpu.memref_slice %arg6[%add3A_474, %dma_start3A_487] : memref<32x200xi32, #tpu.memory_space<vmem>> -> memref<1x72xi32, #tpu.memory_space<vmem>>
      %dma_start3A_489 = tpu.memref_squeeze %dma_start3A_488 : memref<1x72xi32, #tpu.memory_space<vmem>> -> memref<72xi32, #tpu.memory_space<vmem>>
      %dma_start3A_490 = arith.constant 0 : i32
      %dma_start3A_491 = arith.constant 0 : i32
      %dma_start3A_492 = tpu.memref_slice %arg3[%dma_start3A_490, %dma_start3A_491] : memref<100000x128xf32, #tpu.memory_space<hbm>> -> memref<100000x128xf32, #tpu.memory_space<hbm>>
      tpu.enqueue_indirect_dma source(%dma_start3A_492 : memref<100000x128xf32, #tpu.memory_space<hbm>>) target(%dma_start3A_486 : memref<72x128xf32, #tpu.memory_space<vmem>>) offsets(%dma_start3A_489 : memref<72xi32, #tpu.memory_space<vmem>>) semaphore(%arg12 : memref<!tpu.dma_semaphore, #tpu.memory_space<semaphore_mem>>)
      %dma_wait3A_493 = arith.constant 128 : i32
      %dma_wait3A_494 = arith.constant 0 : i32
      %dma_wait3A_495 = tpu.memref_slice %arg10[%dma_wait3A_493, %dma_wait3A_494] : memref<200x128xf32, #tpu.memory_space<vmem>> -> memref<72x128xf32, #tpu.memory_space<vmem>>
      %dma_wait3A_496 = arith.constant 128 : i32
      %dma_wait3A_497 = tpu.memref_slice %arg6[%add3A_438, %dma_wait3A_496] : memref<32x200xi32, #tpu.memory_space<vmem>> -> memref<1x72xi32, #tpu.memory_space<vmem>>
      %dma_wait3A_498 = tpu.memref_squeeze %dma_wait3A_497 : memref<1x72xi32, #tpu.memory_space<vmem>> -> memref<72xi32, #tpu.memory_space<vmem>>
      %dma_wait3A_499 = arith.constant 0 : i32
      %dma_wait3A_500 = arith.constant 0 : i32
      %dma_wait3A_501 = tpu.memref_slice %arg3[%dma_wait3A_499, %dma_wait3A_500] : memref<100000x128xf32, #tpu.memory_space<hbm>> -> memref<100000x128xf32, #tpu.memory_space<hbm>>
      tpu.wait_indirect_dma semaphore(%arg13 : memref<!tpu.dma_semaphore, #tpu.memory_space<semaphore_mem>>) src(%dma_wait3A_501 : memref<100000x128xf32, #tpu.memory_space<hbm>>) dst(%dma_wait3A_495 : memref<72x128xf32, #tpu.memory_space<vmem>>)
      %scan3A_502 = arith.constant 0 : i32
      %scan3A_503 = arith.constant 72 : i32
      %scan3A_504 = arith.addi %scan3A_502, %scan3A_503 : i32
      %scan3A_505 = arith.constant 1 : i32
      scf.for %scan3A_522 = %scan3A_502 to %scan3A_504 step %scan3A_505  : i32 {
        %mul3A_523 = arith.constant 1 : i32
        %mul3A_524 = arith.muli %scan3A_522, %mul3A_523 : i32
        %add3A_525 = arith.constant 128 : i32
        %add3A_526 = arith.addi %add3A_525, %mul3A_524 : i32
        %get3A = arith.index_cast %add3A_526 : i32 to index
        %get3A_527 = arith.constant 0 : index
        %get3A_528 = tpu.vector_load %arg7[%get3A, %get3A_527] {strides = array<i32>} : memref<200x128xf32, #tpu.memory_space<vmem>>, vector<1x16xf32>,
        %get3A_529 = vector.shape_cast %get3A_528 : vector<1x16xf32> to vector<16xf32>
        %swap3A = arith.index_cast %add3A_526 : i32 to index
        %swap3A_530 = arith.constant 0 : index
        %swap3A_531 = tpu.vector_load %arg10[%swap3A, %swap3A_530] {strides = array<i32>} : memref<200x128xf32, #tpu.memory_space<vmem>>, vector<1x16xf32>,
        %swap3A_532 = vector.shape_cast %swap3A_531 : vector<1x16xf32> to vector<16xf32>
        %swap3A_533 = vector.shape_cast %get3A_529 : vector<16xf32> to vector<1x16xf32>
        tpu.vector_store %arg10[%swap3A, %swap3A_530], %swap3A_533 {add = true, strides = array<i32>} : memref<200x128xf32, #tpu.memory_space<vmem>>, vector<1x16xf32>,
        %get3A_534 = arith.index_cast %add3A_526 : i32 to index
        %get3A_535 = arith.constant 16 : index
        %get3A_536 = tpu.vector_load %arg7[%get3A_534, %get3A_535] {strides = array<i32>} : memref<200x128xf32, #tpu.memory_space<vmem>>, vector<1x16xf32>,
        %get3A_537 = vector.shape_cast %get3A_536 : vector<1x16xf32> to vector<16xf32>
        %swap3A_538 = arith.index_cast %add3A_526 : i32 to index
        %swap3A_539 = arith.constant 16 : index
        %swap3A_540 = tpu.vector_load %arg10[%swap3A_538, %swap3A_539] {strides = array<i32>} : memref<200x128xf32, #tpu.memory_space<vmem>>, vector<1x16xf32>,
        %swap3A_541 = vector.shape_cast %swap3A_540 : vector<1x16xf32> to vector<16xf32>
        %swap3A_542 = vector.shape_cast %get3A_537 : vector<16xf32> to vector<1x16xf32>
        tpu.vector_store %arg10[%swap3A_538, %swap3A_539], %swap3A_542 {add = true, strides = array<i32>} : memref<200x128xf32, #tpu.memory_space<vmem>>, vector<1x16xf32>,
        %get3A_543 = arith.index_cast %add3A_526 : i32 to index
        %get3A_544 = arith.constant 32 : index
        %get3A_545 = tpu.vector_load %arg7[%get3A_543, %get3A_544] {strides = array<i32>} : memref<200x128xf32, #tpu.memory_space<vmem>>, vector<1x16xf32>,
        %get3A_546 = vector.shape_cast %get3A_545 : vector<1x16xf32> to vector<16xf32>
        %swap3A_547 = arith.index_cast %add3A_526 : i32 to index
        %swap3A_548 = arith.constant 32 : index
        %swap3A_549 = tpu.vector_load %arg10[%swap3A_547, %swap3A_548] {strides = array<i32>} : memref<200x128xf32, #tpu.memory_space<vmem>>, vector<1x16xf32>,
        %swap3A_550 = vector.shape_cast %swap3A_549 : vector<1x16xf32> to vector<16xf32>
        %swap3A_551 = vector.shape_cast %get3A_546 : vector<16xf32> to vector<1x16xf32>
        tpu.vector_store %arg10[%swap3A_547, %swap3A_548], %swap3A_551 {add = true, strides = array<i32>} : memref<200x128xf32, #tpu.memory_space<vmem>>, vector<1x16xf32>,
        %get3A_552 = arith.index_cast %add3A_526 : i32 to index
        %get3A_553 = arith.constant 48 : index
        %get3A_554 = tpu.vector_load %arg7[%get3A_552, %get3A_553] {strides = array<i32>} : memref<200x128xf32, #tpu.memory_space<vmem>>, vector<1x16xf32>,
        %get3A_555 = vector.shape_cast %get3A_554 : vector<1x16xf32> to vector<16xf32>
        %swap3A_556 = arith.index_cast %add3A_526 : i32 to index
        %swap3A_557 = arith.constant 48 : index
        %swap3A_558 = tpu.vector_load %arg10[%swap3A_556, %swap3A_557] {strides = array<i32>} : memref<200x128xf32, #tpu.memory_space<vmem>>, vector<1x16xf32>,
        %swap3A_559 = vector.shape_cast %swap3A_558 : vector<1x16xf32> to vector<16xf32>
        %swap3A_560 = vector.shape_cast %get3A_555 : vector<16xf32> to vector<1x16xf32>
        tpu.vector_store %arg10[%swap3A_556, %swap3A_557], %swap3A_560 {add = true, strides = array<i32>} : memref<200x128xf32, #tpu.memory_space<vmem>>, vector<1x16xf32>,
        %get3A_561 = arith.index_cast %add3A_526 : i32 to index
        %get3A_562 = arith.constant 64 : index
        %get3A_563 = tpu.vector_load %arg7[%get3A_561, %get3A_562] {strides = array<i32>} : memref<200x128xf32, #tpu.memory_space<vmem>>, vector<1x16xf32>,
        %get3A_564 = vector.shape_cast %get3A_563 : vector<1x16xf32> to vector<16xf32>
        %swap3A_565 = arith.index_cast %add3A_526 : i32 to index
        %swap3A_566 = arith.constant 64 : index
        %swap3A_567 = tpu.vector_load %arg10[%swap3A_565, %swap3A_566] {strides = array<i32>} : memref<200x128xf32, #tpu.memory_space<vmem>>, vector<1x16xf32>,
        %swap3A_568 = vector.shape_cast %swap3A_567 : vector<1x16xf32> to vector<16xf32>
        %swap3A_569 = vector.shape_cast %get3A_564 : vector<16xf32> to vector<1x16xf32>
        tpu.vector_store %arg10[%swap3A_565, %swap3A_566], %swap3A_569 {add = true, strides = array<i32>} : memref<200x128xf32, #tpu.memory_space<vmem>>, vector<1x16xf32>,
        %get3A_570 = arith.index_cast %add3A_526 : i32 to index
        %get3A_571 = arith.constant 80 : index
        %get3A_572 = tpu.vector_load %arg7[%get3A_570, %get3A_571] {strides = array<i32>} : memref<200x128xf32, #tpu.memory_space<vmem>>, vector<1x16xf32>,
        %get3A_573 = vector.shape_cast %get3A_572 : vector<1x16xf32> to vector<16xf32>
        %swap3A_574 = arith.index_cast %add3A_526 : i32 to index
        %swap3A_575 = arith.constant 80 : index
        %swap3A_576 = tpu.vector_load %arg10[%swap3A_574, %swap3A_575] {strides = array<i32>} : memref<200x128xf32, #tpu.memory_space<vmem>>, vector<1x16xf32>,
        %swap3A_577 = vector.shape_cast %swap3A_576 : vector<1x16xf32> to vector<16xf32>
        %swap3A_578 = vector.shape_cast %get3A_573 : vector<16xf32> to vector<1x16xf32>
        tpu.vector_store %arg10[%swap3A_574, %swap3A_575], %swap3A_578 {add = true, strides = array<i32>} : memref<200x128xf32, #tpu.memory_space<vmem>>, vector<1x16xf32>,
        %get3A_579 = arith.index_cast %add3A_526 : i32 to index
        %get3A_580 = arith.constant 96 : index
        %get3A_581 = tpu.vector_load %arg7[%get3A_579, %get3A_580] {strides = array<i32>} : memref<200x128xf32, #tpu.memory_space<vmem>>, vector<1x16xf32>,
        %get3A_582 = vector.shape_cast %get3A_581 : vector<1x16xf32> to vector<16xf32>
        %swap3A_583 = arith.index_cast %add3A_526 : i32 to index
        %swap3A_584 = arith.constant 96 : index
        %swap3A_585 = tpu.vector_load %arg10[%swap3A_583, %swap3A_584] {strides = array<i32>} : memref<200x128xf32, #tpu.memory_space<vmem>>, vector<1x16xf32>,
        %swap3A_586 = vector.shape_cast %swap3A_585 : vector<1x16xf32> to vector<16xf32>
        %swap3A_587 = vector.shape_cast %get3A_582 : vector<16xf32> to vector<1x16xf32>
        tpu.vector_store %arg10[%swap3A_583, %swap3A_584], %swap3A_587 {add = true, strides = array<i32>} : memref<200x128xf32, #tpu.memory_space<vmem>>, vector<1x16xf32>,
        %get3A_588 = arith.index_cast %add3A_526 : i32 to index
        %get3A_589 = arith.constant 112 : index
        %get3A_590 = tpu.vector_load %arg7[%get3A_588, %get3A_589] {strides = array<i32>} : memref<200x128xf32, #tpu.memory_space<vmem>>, vector<1x16xf32>,
        %get3A_591 = vector.shape_cast %get3A_590 : vector<1x16xf32> to vector<16xf32>
        %swap3A_592 = arith.index_cast %add3A_526 : i32 to index
        %swap3A_593 = arith.constant 112 : index
        %swap3A_594 = tpu.vector_load %arg10[%swap3A_592, %swap3A_593] {strides = array<i32>} : memref<200x128xf32, #tpu.memory_space<vmem>>, vector<1x16xf32>,
        %swap3A_595 = vector.shape_cast %swap3A_594 : vector<1x16xf32> to vector<16xf32>
        %swap3A_596 = vector.shape_cast %get3A_591 : vector<16xf32> to vector<1x16xf32>
        tpu.vector_store %arg10[%swap3A_592, %swap3A_593], %swap3A_596 {add = true, strides = array<i32>} : memref<200x128xf32, #tpu.memory_space<vmem>>, vector<1x16xf32>,
      }
      %scan3A_506 = arith.constant 72 : i32
      %add3A_507 = arith.addi %mul3A_2, %add3A_438 : i32
      %dma_start3A_508 = arith.constant 128 : i32
      %dma_start3A_509 = arith.constant 0 : i32
      %dma_start3A_510 = tpu.memref_slice %arg10[%dma_start3A_508, %dma_start3A_509] : memref<200x128xf32, #tpu.memory_space<vmem>> -> memref<72x128xf32, #tpu.memory_space<vmem>>
      %dma_start3A_511 = arith.constant 128 : i32
      %dma_start3A_512 = arith.constant 0 : i32
      %dma_start3A_513 = tpu.memref_slice %arg5[%add3A_507, %dma_start3A_511, %dma_start3A_512] : memref<1024x200x128xf32, #tpu.memory_space<hbm>> -> memref<1x72x128xf32, #tpu.memory_space<hbm>>
      %dma_start3A_514 = tpu.memref_squeeze %dma_start3A_513 : memref<1x72x128xf32, #tpu.memory_space<hbm>> -> memref<72x128xf32, #tpu.memory_space<hbm>>
      %dma_start3A_515 = arith.constant 128 : i32
      %dma_start3A_516 = arith.constant 0 : i32
      %dma_start3A_517 = tpu.memref_slice %arg5[%add3A_507, %dma_start3A_515, %dma_start3A_516] : memref<1024x200x128xf32, #tpu.memory_space<hbm>> -> memref<1x72x128xf32, #tpu.memory_space<hbm>>
      %dma_start3A_518 = tpu.memref_squeeze %dma_start3A_517 : memref<1x72x128xf32, #tpu.memory_space<hbm>> -> memref<72x128xf32, #tpu.memory_space<hbm>>
      %dma_start3A_519 = arith.constant 128 : i32
      %dma_start3A_520 = arith.constant 0 : i32
      %dma_start3A_521 = tpu.memref_slice %arg10[%dma_start3A_519, %dma_start3A_520] : memref<200x128xf32, #tpu.memory_space<vmem>> -> memref<72x128xf32, #tpu.memory_space<vmem>>
      tpu.enqueue_dma source(%dma_start3A_521 : memref<72x128xf32, #tpu.memory_space<vmem>>) target(%dma_start3A_518 : memref<72x128xf32, #tpu.memory_space<hbm>>) target_semaphore(%arg16 : memref<!tpu.dma_semaphore, #tpu.memory_space<semaphore_mem>>)
    }
    %scan3A_45 = arith.constant 10 : i32
    %dma_wait3A = arith.constant 30 : i32
    %dma_wait3A_46 = arith.constant 0 : i32
    %dma_wait3A_47 = arith.constant 0 : i32
    %dma_wait3A_48 = tpu.memref_slice %arg8[%dma_wait3A_46, %dma_wait3A_47] : memref<200x128xf32, #tpu.memory_space<vmem>> -> memref<128x128xf32, #tpu.memory_space<vmem>>
    %dma_wait3A_49 = arith.constant 0 : i32
    %dma_wait3A_50 = tpu.memref_slice %arg6[%dma_wait3A, %dma_wait3A_49] : memref<32x200xi32, #tpu.memory_space<vmem>> -> memref<1x128xi32, #tpu.memory_space<vmem>>
    %dma_wait3A_51 = tpu.memref_squeeze %dma_wait3A_50 : memref<1x128xi32, #tpu.memory_space<vmem>> -> memref<128xi32, #tpu.memory_space<vmem>>
    %dma_wait3A_52 = arith.constant 0 : i32
    %dma_wait3A_53 = arith.constant 0 : i32
    %dma_wait3A_54 = tpu.memref_slice %arg3[%dma_wait3A_52, %dma_wait3A_53] : memref<100000x128xf32, #tpu.memory_space<hbm>> -> memref<100000x128xf32, #tpu.memory_space<hbm>>
    tpu.wait_indirect_dma semaphore(%arg11 : memref<!tpu.dma_semaphore, #tpu.memory_space<semaphore_mem>>) src(%dma_wait3A_54 : memref<100000x128xf32, #tpu.memory_space<hbm>>) dst(%dma_wait3A_48 : memref<128x128xf32, #tpu.memory_space<vmem>>)
    %scan3A_55 = arith.constant 0 : i32
    %scan3A_56 = arith.constant 128 : i32
    %scan3A_57 = arith.addi %scan3A_55, %scan3A_56 : i32
    %scan3A_58 = arith.constant 1 : i32
    scf.for %scan3A_265 = %scan3A_55 to %scan3A_57 step %scan3A_58  : i32 {
      %mul3A_266 = arith.constant 1 : i32
      %mul3A_267 = arith.muli %scan3A_265, %mul3A_266 : i32
      %add3A_268 = arith.constant 0 : i32
      %add3A_269 = arith.addi %add3A_268, %mul3A_267 : i32
      %get3A = arith.index_cast %add3A_269 : i32 to index
      %get3A_270 = arith.constant 0 : index
      %get3A_271 = tpu.vector_load %arg7[%get3A, %get3A_270] {strides = array<i32>} : memref<200x128xf32, #tpu.memory_space<vmem>>, vector<1x16xf32>,
      %get3A_272 = vector.shape_cast %get3A_271 : vector<1x16xf32> to vector<16xf32>
      %swap3A = arith.index_cast %add3A_269 : i32 to index
      %swap3A_273 = arith.constant 0 : index
      %swap3A_274 = tpu.vector_load %arg8[%swap3A, %swap3A_273] {strides = array<i32>} : memref<200x128xf32, #tpu.memory_space<vmem>>, vector<1x16xf32>,
      %swap3A_275 = vector.shape_cast %swap3A_274 : vector<1x16xf32> to vector<16xf32>
      %swap3A_276 = vector.shape_cast %get3A_272 : vector<16xf32> to vector<1x16xf32>
      tpu.vector_store %arg8[%swap3A, %swap3A_273], %swap3A_276 {add = true, strides = array<i32>} : memref<200x128xf32, #tpu.memory_space<vmem>>, vector<1x16xf32>,
      %get3A_277 = arith.index_cast %add3A_269 : i32 to index
      %get3A_278 = arith.constant 16 : index
      %get3A_279 = tpu.vector_load %arg7[%get3A_277, %get3A_278] {strides = array<i32>} : memref<200x128xf32, #tpu.memory_space<vmem>>, vector<1x16xf32>,
      %get3A_280 = vector.shape_cast %get3A_279 : vector<1x16xf32> to vector<16xf32>
      %swap3A_281 = arith.index_cast %add3A_269 : i32 to index
      %swap3A_282 = arith.constant 16 : index
      %swap3A_283 = tpu.vector_load %arg8[%swap3A_281, %swap3A_282] {strides = array<i32>} : memref<200x128xf32, #tpu.memory_space<vmem>>, vector<1x16xf32>,
      %swap3A_284 = vector.shape_cast %swap3A_283 : vector<1x16xf32> to vector<16xf32>
      %swap3A_285 = vector.shape_cast %get3A_280 : vector<16xf32> to vector<1x16xf32>
      tpu.vector_store %arg8[%swap3A_281, %swap3A_282], %swap3A_285 {add = true, strides = array<i32>} : memref<200x128xf32, #tpu.memory_space<vmem>>, vector<1x16xf32>,
      %get3A_286 = arith.index_cast %add3A_269 : i32 to index
      %get3A_287 = arith.constant 32 : index
      %get3A_288 = tpu.vector_load %arg7[%get3A_286, %get3A_287] {strides = array<i32>} : memref<200x128xf32, #tpu.memory_space<vmem>>, vector<1x16xf32>,
      %get3A_289 = vector.shape_cast %get3A_288 : vector<1x16xf32> to vector<16xf32>
      %swap3A_290 = arith.index_cast %add3A_269 : i32 to index
      %swap3A_291 = arith.constant 32 : index
      %swap3A_292 = tpu.vector_load %arg8[%swap3A_290, %swap3A_291] {strides = array<i32>} : memref<200x128xf32, #tpu.memory_space<vmem>>, vector<1x16xf32>,
      %swap3A_293 = vector.shape_cast %swap3A_292 : vector<1x16xf32> to vector<16xf32>
      %swap3A_294 = vector.shape_cast %get3A_289 : vector<16xf32> to vector<1x16xf32>
      tpu.vector_store %arg8[%swap3A_290, %swap3A_291], %swap3A_294 {add = true, strides = array<i32>} : memref<200x128xf32, #tpu.memory_space<vmem>>, vector<1x16xf32>,
      %get3A_295 = arith.index_cast %add3A_269 : i32 to index
      %get3A_296 = arith.constant 48 : index
      %get3A_297 = tpu.vector_load %arg7[%get3A_295, %get3A_296] {strides = array<i32>} : memref<200x128xf32, #tpu.memory_space<vmem>>, vector<1x16xf32>,
      %get3A_298 = vector.shape_cast %get3A_297 : vector<1x16xf32> to vector<16xf32>
      %swap3A_299 = arith.index_cast %add3A_269 : i32 to index
      %swap3A_300 = arith.constant 48 : index
      %swap3A_301 = tpu.vector_load %arg8[%swap3A_299, %swap3A_300] {strides = array<i32>} : memref<200x128xf32, #tpu.memory_space<vmem>>, vector<1x16xf32>,
      %swap3A_302 = vector.shape_cast %swap3A_301 : vector<1x16xf32> to vector<16xf32>
      %swap3A_303 = vector.shape_cast %get3A_298 : vector<16xf32> to vector<1x16xf32>
      tpu.vector_store %arg8[%swap3A_299, %swap3A_300], %swap3A_303 {add = true, strides = array<i32>} : memref<200x128xf32, #tpu.memory_space<vmem>>, vector<1x16xf32>,
      %get3A_304 = arith.index_cast %add3A_269 : i32 to index
      %get3A_305 = arith.constant 64 : index
      %get3A_306 = tpu.vector_load %arg7[%get3A_304, %get3A_305] {strides = array<i32>} : memref<200x128xf32, #tpu.memory_space<vmem>>, vector<1x16xf32>,
      %get3A_307 = vector.shape_cast %get3A_306 : vector<1x16xf32> to vector<16xf32>
      %swap3A_308 = arith.index_cast %add3A_269 : i32 to index
      %swap3A_309 = arith.constant 64 : index
      %swap3A_310 = tpu.vector_load %arg8[%swap3A_308, %swap3A_309] {strides = array<i32>} : memref<200x128xf32, #tpu.memory_space<vmem>>, vector<1x16xf32>,
      %swap3A_311 = vector.shape_cast %swap3A_310 : vector<1x16xf32> to vector<16xf32>
      %swap3A_312 = vector.shape_cast %get3A_307 : vector<16xf32> to vector<1x16xf32>
      tpu.vector_store %arg8[%swap3A_308, %swap3A_309], %swap3A_312 {add = true, strides = array<i32>} : memref<200x128xf32, #tpu.memory_space<vmem>>, vector<1x16xf32>,
      %get3A_313 = arith.index_cast %add3A_269 : i32 to index
      %get3A_314 = arith.constant 80 : index
      %get3A_315 = tpu.vector_load %arg7[%get3A_313, %get3A_314] {strides = array<i32>} : memref<200x128xf32, #tpu.memory_space<vmem>>, vector<1x16xf32>,
      %get3A_316 = vector.shape_cast %get3A_315 : vector<1x16xf32> to vector<16xf32>
      %swap3A_317 = arith.index_cast %add3A_269 : i32 to index
      %swap3A_318 = arith.constant 80 : index
      %swap3A_319 = tpu.vector_load %arg8[%swap3A_317, %swap3A_318] {strides = array<i32>} : memref<200x128xf32, #tpu.memory_space<vmem>>, vector<1x16xf32>,
      %swap3A_320 = vector.shape_cast %swap3A_319 : vector<1x16xf32> to vector<16xf32>
      %swap3A_321 = vector.shape_cast %get3A_316 : vector<16xf32> to vector<1x16xf32>
      tpu.vector_store %arg8[%swap3A_317, %swap3A_318], %swap3A_321 {add = true, strides = array<i32>} : memref<200x128xf32, #tpu.memory_space<vmem>>, vector<1x16xf32>,
      %get3A_322 = arith.index_cast %add3A_269 : i32 to index
      %get3A_323 = arith.constant 96 : index
      %get3A_324 = tpu.vector_load %arg7[%get3A_322, %get3A_323] {strides = array<i32>} : memref<200x128xf32, #tpu.memory_space<vmem>>, vector<1x16xf32>,
      %get3A_325 = vector.shape_cast %get3A_324 : vector<1x16xf32> to vector<16xf32>
      %swap3A_326 = arith.index_cast %add3A_269 : i32 to index
      %swap3A_327 = arith.constant 96 : index
      %swap3A_328 = tpu.vector_load %arg8[%swap3A_326, %swap3A_327] {strides = array<i32>} : memref<200x128xf32, #tpu.memory_space<vmem>>, vector<1x16xf32>,
      %swap3A_329 = vector.shape_cast %swap3A_328 : vector<1x16xf32> to vector<16xf32>
      %swap3A_330 = vector.shape_cast %get3A_325 : vector<16xf32> to vector<1x16xf32>
      tpu.vector_store %arg8[%swap3A_326, %swap3A_327], %swap3A_330 {add = true, strides = array<i32>} : memref<200x128xf32, #tpu.memory_space<vmem>>, vector<1x16xf32>,
      %get3A_331 = arith.index_cast %add3A_269 : i32 to index
      %get3A_332 = arith.constant 112 : index
      %get3A_333 = tpu.vector_load %arg7[%get3A_331, %get3A_332] {strides = array<i32>} : memref<200x128xf32, #tpu.memory_space<vmem>>, vector<1x16xf32>,
      %get3A_334 = vector.shape_cast %get3A_333 : vector<1x16xf32> to vector<16xf32>
      %swap3A_335 = arith.index_cast %add3A_269 : i32 to index
      %swap3A_336 = arith.constant 112 : index
      %swap3A_337 = tpu.vector_load %arg8[%swap3A_335, %swap3A_336] {strides = array<i32>} : memref<200x128xf32, #tpu.memory_space<vmem>>, vector<1x16xf32>,
      %swap3A_338 = vector.shape_cast %swap3A_337 : vector<1x16xf32> to vector<16xf32>
      %swap3A_339 = vector.shape_cast %get3A_334 : vector<16xf32> to vector<1x16xf32>
      tpu.vector_store %arg8[%swap3A_335, %swap3A_336], %swap3A_339 {add = true, strides = array<i32>} : memref<200x128xf32, #tpu.memory_space<vmem>>, vector<1x16xf32>,
    }
    %scan3A_59 = arith.constant 128 : i32
    %add3A_60 = arith.constant 30 : i32
    %add3A_61 = arith.addi %mul3A_2, %add3A_60 : i32
    %dma_start3A_62 = arith.constant 0 : i32
    %dma_start3A_63 = arith.constant 0 : i32
    %dma_start3A_64 = tpu.memref_slice %arg8[%dma_start3A_62, %dma_start3A_63] : memref<200x128xf32, #tpu.memory_space<vmem>> -> memref<128x128xf32, #tpu.memory_space<vmem>>
    %dma_start3A_65 = arith.constant 0 : i32
    %dma_start3A_66 = arith.constant 0 : i32
    %dma_start3A_67 = tpu.memref_slice %arg5[%add3A_61, %dma_start3A_65, %dma_start3A_66] : memref<1024x200x128xf32, #tpu.memory_space<hbm>> -> memref<1x128x128xf32, #tpu.memory_space<hbm>>
    %dma_start3A_68 = tpu.memref_squeeze %dma_start3A_67 : memref<1x128x128xf32, #tpu.memory_space<hbm>> -> memref<128x128xf32, #tpu.memory_space<hbm>>
    %dma_start3A_69 = arith.constant 0 : i32
    %dma_start3A_70 = arith.constant 0 : i32
    %dma_start3A_71 = tpu.memref_slice %arg5[%add3A_61, %dma_start3A_69, %dma_start3A_70] : memref<1024x200x128xf32, #tpu.memory_space<hbm>> -> memref<1x128x128xf32, #tpu.memory_space<hbm>>
    %dma_start3A_72 = tpu.memref_squeeze %dma_start3A_71 : memref<1x128x128xf32, #tpu.memory_space<hbm>> -> memref<128x128xf32, #tpu.memory_space<hbm>>
    %dma_start3A_73 = arith.constant 0 : i32
    %dma_start3A_74 = arith.constant 0 : i32
    %dma_start3A_75 = tpu.memref_slice %arg8[%dma_start3A_73, %dma_start3A_74] : memref<200x128xf32, #tpu.memory_space<vmem>> -> memref<128x128xf32, #tpu.memory_space<vmem>>
    tpu.enqueue_dma source(%dma_start3A_75 : memref<128x128xf32, #tpu.memory_space<vmem>>) target(%dma_start3A_72 : memref<128x128xf32, #tpu.memory_space<hbm>>) target_semaphore(%arg14 : memref<!tpu.dma_semaphore, #tpu.memory_space<semaphore_mem>>)
    %add3A_76 = arith.constant 29 : i32
    %add3A_77 = arith.addi %mul3A_2, %add3A_76 : i32
    %dma_wait3A_78 = arith.constant 0 : i32
    %dma_wait3A_79 = arith.constant 0 : i32
    %dma_wait3A_80 = tpu.memref_slice %arg10[%dma_wait3A_78, %dma_wait3A_79] : memref<200x128xf32, #tpu.memory_space<vmem>> -> memref<128x128xf32, #tpu.memory_space<vmem>>
    %dma_wait3A_81 = arith.constant 0 : i32
    %dma_wait3A_82 = arith.constant 0 : i32
    %dma_wait3A_83 = tpu.memref_slice %arg5[%add3A_77, %dma_wait3A_81, %dma_wait3A_82] : memref<1024x200x128xf32, #tpu.memory_space<hbm>> -> memref<1x128x128xf32, #tpu.memory_space<hbm>>
    %dma_wait3A_84 = tpu.memref_squeeze %dma_wait3A_83 : memref<1x128x128xf32, #tpu.memory_space<hbm>> -> memref<128x128xf32, #tpu.memory_space<hbm>>
    %dma_wait3A_85 = arith.constant 0 : i32
    %dma_wait3A_86 = arith.constant 0 : i32
    %dma_wait3A_87 = tpu.memref_slice %arg5[%add3A_77, %dma_wait3A_85, %dma_wait3A_86] : memref<1024x200x128xf32, #tpu.memory_space<hbm>> -> memref<1x128x128xf32, #tpu.memory_space<hbm>>
    %dma_wait3A_88 = tpu.memref_squeeze %dma_wait3A_87 : memref<1x128x128xf32, #tpu.memory_space<hbm>> -> memref<128x128xf32, #tpu.memory_space<hbm>>
    %dma_wait3A_89 = arith.constant 0 : i32
    %dma_wait3A_90 = arith.constant 0 : i32
    %dma_wait3A_91 = tpu.memref_slice %arg10[%dma_wait3A_89, %dma_wait3A_90] : memref<200x128xf32, #tpu.memory_space<vmem>> -> memref<128x128xf32, #tpu.memory_space<vmem>>
    tpu.wait_dma2 semaphore(%arg16 : memref<!tpu.dma_semaphore, #tpu.memory_space<semaphore_mem>>) src(%dma_wait3A_91 : memref<128x128xf32, #tpu.memory_space<vmem>>) dst(%dma_wait3A_88 : memref<128x128xf32, #tpu.memory_space<hbm>>)
    %add3A_92 = arith.constant 29 : i32
    %add3A_93 = arith.addi %mul3A_2, %add3A_92 : i32
    %dma_wait3A_94 = arith.constant 128 : i32
    %dma_wait3A_95 = arith.constant 0 : i32
    %dma_wait3A_96 = tpu.memref_slice %arg10[%dma_wait3A_94, %dma_wait3A_95] : memref<200x128xf32, #tpu.memory_space<vmem>> -> memref<72x128xf32, #tpu.memory_space<vmem>>
    %dma_wait3A_97 = arith.constant 128 : i32
    %dma_wait3A_98 = arith.constant 0 : i32
    %dma_wait3A_99 = tpu.memref_slice %arg5[%add3A_93, %dma_wait3A_97, %dma_wait3A_98] : memref<1024x200x128xf32, #tpu.memory_space<hbm>> -> memref<1x72x128xf32, #tpu.memory_space<hbm>>
    %dma_wait3A_100 = tpu.memref_squeeze %dma_wait3A_99 : memref<1x72x128xf32, #tpu.memory_space<hbm>> -> memref<72x128xf32, #tpu.memory_space<hbm>>
    %dma_wait3A_101 = arith.constant 128 : i32
    %dma_wait3A_102 = arith.constant 0 : i32
    %dma_wait3A_103 = tpu.memref_slice %arg5[%add3A_93, %dma_wait3A_101, %dma_wait3A_102] : memref<1024x200x128xf32, #tpu.memory_space<hbm>> -> memref<1x72x128xf32, #tpu.memory_space<hbm>>
    %dma_wait3A_104 = tpu.memref_squeeze %dma_wait3A_103 : memref<1x72x128xf32, #tpu.memory_space<hbm>> -> memref<72x128xf32, #tpu.memory_space<hbm>>
    %dma_wait3A_105 = arith.constant 128 : i32
    %dma_wait3A_106 = arith.constant 0 : i32
    %dma_wait3A_107 = tpu.memref_slice %arg10[%dma_wait3A_105, %dma_wait3A_106] : memref<200x128xf32, #tpu.memory_space<vmem>> -> memref<72x128xf32, #tpu.memory_space<vmem>>
    tpu.wait_dma2 semaphore(%arg16 : memref<!tpu.dma_semaphore, #tpu.memory_space<semaphore_mem>>) src(%dma_wait3A_107 : memref<72x128xf32, #tpu.memory_space<vmem>>) dst(%dma_wait3A_104 : memref<72x128xf32, #tpu.memory_space<hbm>>)
    %dma_wait3A_108 = arith.constant 30 : i32
    %dma_wait3A_109 = arith.constant 128 : i32
    %dma_wait3A_110 = arith.constant 0 : i32
    %dma_wait3A_111 = tpu.memref_slice %arg8[%dma_wait3A_109, %dma_wait3A_110] : memref<200x128xf32, #tpu.memory_space<vmem>> -> memref<72x128xf32, #tpu.memory_space<vmem>>
    %dma_wait3A_112 = arith.constant 128 : i32
    %dma_wait3A_113 = tpu.memref_slice %arg6[%dma_wait3A_108, %dma_wait3A_112] : memref<32x200xi32, #tpu.memory_space<vmem>> -> memref<1x72xi32, #tpu.memory_space<vmem>>
    %dma_wait3A_114 = tpu.memref_squeeze %dma_wait3A_113 : memref<1x72xi32, #tpu.memory_space<vmem>> -> memref<72xi32, #tpu.memory_space<vmem>>
    %dma_wait3A_115 = arith.constant 0 : i32
    %dma_wait3A_116 = arith.constant 0 : i32
    %dma_wait3A_117 = tpu.memref_slice %arg3[%dma_wait3A_115, %dma_wait3A_116] : memref<100000x128xf32, #tpu.memory_space<hbm>> -> memref<100000x128xf32, #tpu.memory_space<hbm>>
    tpu.wait_indirect_dma semaphore(%arg11 : memref<!tpu.dma_semaphore, #tpu.memory_space<semaphore_mem>>) src(%dma_wait3A_117 : memref<100000x128xf32, #tpu.memory_space<hbm>>) dst(%dma_wait3A_111 : memref<72x128xf32, #tpu.memory_space<vmem>>)
    %scan3A_118 = arith.constant 0 : i32
    %scan3A_119 = arith.constant 72 : i32
    %scan3A_120 = arith.addi %scan3A_118, %scan3A_119 : i32
    %scan3A_121 = arith.constant 1 : i32
    scf.for %scan3A_265 = %scan3A_118 to %scan3A_120 step %scan3A_121  : i32 {
      %mul3A_266 = arith.constant 1 : i32
      %mul3A_267 = arith.muli %scan3A_265, %mul3A_266 : i32
      %add3A_268 = arith.constant 128 : i32
      %add3A_269 = arith.addi %add3A_268, %mul3A_267 : i32
      %get3A = arith.index_cast %add3A_269 : i32 to index
      %get3A_270 = arith.constant 0 : index
      %get3A_271 = tpu.vector_load %arg7[%get3A, %get3A_270] {strides = array<i32>} : memref<200x128xf32, #tpu.memory_space<vmem>>, vector<1x16xf32>,
      %get3A_272 = vector.shape_cast %get3A_271 : vector<1x16xf32> to vector<16xf32>
      %swap3A = arith.index_cast %add3A_269 : i32 to index
      %swap3A_273 = arith.constant 0 : index
      %swap3A_274 = tpu.vector_load %arg8[%swap3A, %swap3A_273] {strides = array<i32>} : memref<200x128xf32, #tpu.memory_space<vmem>>, vector<1x16xf32>,
      %swap3A_275 = vector.shape_cast %swap3A_274 : vector<1x16xf32> to vector<16xf32>
      %swap3A_276 = vector.shape_cast %get3A_272 : vector<16xf32> to vector<1x16xf32>
      tpu.vector_store %arg8[%swap3A, %swap3A_273], %swap3A_276 {add = true, strides = array<i32>} : memref<200x128xf32, #tpu.memory_space<vmem>>, vector<1x16xf32>,
      %get3A_277 = arith.index_cast %add3A_269 : i32 to index
      %get3A_278 = arith.constant 16 : index
      %get3A_279 = tpu.vector_load %arg7[%get3A_277, %get3A_278] {strides = array<i32>} : memref<200x128xf32, #tpu.memory_space<vmem>>, vector<1x16xf32>,
      %get3A_280 = vector.shape_cast %get3A_279 : vector<1x16xf32> to vector<16xf32>
      %swap3A_281 = arith.index_cast %add3A_269 : i32 to index
      %swap3A_282 = arith.constant 16 : index
      %swap3A_283 = tpu.vector_load %arg8[%swap3A_281, %swap3A_282] {strides = array<i32>} : memref<200x128xf32, #tpu.memory_space<vmem>>, vector<1x16xf32>,
      %swap3A_284 = vector.shape_cast %swap3A_283 : vector<1x16xf32> to vector<16xf32>
      %swap3A_285 = vector.shape_cast %get3A_280 : vector<16xf32> to vector<1x16xf32>
      tpu.vector_store %arg8[%swap3A_281, %swap3A_282], %swap3A_285 {add = true, strides = array<i32>} : memref<200x128xf32, #tpu.memory_space<vmem>>, vector<1x16xf32>,
      %get3A_286 = arith.index_cast %add3A_269 : i32 to index
      %get3A_287 = arith.constant 32 : index
      %get3A_288 = tpu.vector_load %arg7[%get3A_286, %get3A_287] {strides = array<i32>} : memref<200x128xf32, #tpu.memory_space<vmem>>, vector<1x16xf32>,
      %get3A_289 = vector.shape_cast %get3A_288 : vector<1x16xf32> to vector<16xf32>
      %swap3A_290 = arith.index_cast %add3A_269 : i32 to index
      %swap3A_291 = arith.constant 32 : index
      %swap3A_292 = tpu.vector_load %arg8[%swap3A_290, %swap3A_291] {strides = array<i32>} : memref<200x128xf32, #tpu.memory_space<vmem>>, vector<1x16xf32>,
      %swap3A_293 = vector.shape_cast %swap3A_292 : vector<1x16xf32> to vector<16xf32>
      %swap3A_294 = vector.shape_cast %get3A_289 : vector<16xf32> to vector<1x16xf32>
      tpu.vector_store %arg8[%swap3A_290, %swap3A_291], %swap3A_294 {add = true, strides = array<i32>} : memref<200x128xf32, #tpu.memory_space<vmem>>, vector<1x16xf32>,
      %get3A_295 = arith.index_cast %add3A_269 : i32 to index
      %get3A_296 = arith.constant 48 : index
      %get3A_297 = tpu.vector_load %arg7[%get3A_295, %get3A_296] {strides = array<i32>} : memref<200x128xf32, #tpu.memory_space<vmem>>, vector<1x16xf32>,
      %get3A_298 = vector.shape_cast %get3A_297 : vector<1x16xf32> to vector<16xf32>
      %swap3A_299 = arith.index_cast %add3A_269 : i32 to index
      %swap3A_300 = arith.constant 48 : index
      %swap3A_301 = tpu.vector_load %arg8[%swap3A_299, %swap3A_300] {strides = array<i32>} : memref<200x128xf32, #tpu.memory_space<vmem>>, vector<1x16xf32>,
      %swap3A_302 = vector.shape_cast %swap3A_301 : vector<1x16xf32> to vector<16xf32>
      %swap3A_303 = vector.shape_cast %get3A_298 : vector<16xf32> to vector<1x16xf32>
      tpu.vector_store %arg8[%swap3A_299, %swap3A_300], %swap3A_303 {add = true, strides = array<i32>} : memref<200x128xf32, #tpu.memory_space<vmem>>, vector<1x16xf32>,
      %get3A_304 = arith.index_cast %add3A_269 : i32 to index
      %get3A_305 = arith.constant 64 : index
      %get3A_306 = tpu.vector_load %arg7[%get3A_304, %get3A_305] {strides = array<i32>} : memref<200x128xf32, #tpu.memory_space<vmem>>, vector<1x16xf32>,
      %get3A_307 = vector.shape_cast %get3A_306 : vector<1x16xf32> to vector<16xf32>
      %swap3A_308 = arith.index_cast %add3A_269 : i32 to index
      %swap3A_309 = arith.constant 64 : index
      %swap3A_310 = tpu.vector_load %arg8[%swap3A_308, %swap3A_309] {strides = array<i32>} : memref<200x128xf32, #tpu.memory_space<vmem>>, vector<1x16xf32>,
      %swap3A_311 = vector.shape_cast %swap3A_310 : vector<1x16xf32> to vector<16xf32>
      %swap3A_312 = vector.shape_cast %get3A_307 : vector<16xf32> to vector<1x16xf32>
      tpu.vector_store %arg8[%swap3A_308, %swap3A_309], %swap3A_312 {add = true, strides = array<i32>} : memref<200x128xf32, #tpu.memory_space<vmem>>, vector<1x16xf32>,
      %get3A_313 = arith.index_cast %add3A_269 : i32 to index
      %get3A_314 = arith.constant 80 : index
      %get3A_315 = tpu.vector_load %arg7[%get3A_313, %get3A_314] {strides = array<i32>} : memref<200x128xf32, #tpu.memory_space<vmem>>, vector<1x16xf32>,
      %get3A_316 = vector.shape_cast %get3A_315 : vector<1x16xf32> to vector<16xf32>
      %swap3A_317 = arith.index_cast %add3A_269 : i32 to index
      %swap3A_318 = arith.constant 80 : index
      %swap3A_319 = tpu.vector_load %arg8[%swap3A_317, %swap3A_318] {strides = array<i32>} : memref<200x128xf32, #tpu.memory_space<vmem>>, vector<1x16xf32>,
      %swap3A_320 = vector.shape_cast %swap3A_319 : vector<1x16xf32> to vector<16xf32>
      %swap3A_321 = vector.shape_cast %get3A_316 : vector<16xf32> to vector<1x16xf32>
      tpu.vector_store %arg8[%swap3A_317, %swap3A_318], %swap3A_321 {add = true, strides = array<i32>} : memref<200x128xf32, #tpu.memory_space<vmem>>, vector<1x16xf32>,
      %get3A_322 = arith.index_cast %add3A_269 : i32 to index
      %get3A_323 = arith.constant 96 : index
      %get3A_324 = tpu.vector_load %arg7[%get3A_322, %get3A_323] {strides = array<i32>} : memref<200x128xf32, #tpu.memory_space<vmem>>, vector<1x16xf32>,
      %get3A_325 = vector.shape_cast %get3A_324 : vector<1x16xf32> to vector<16xf32>
      %swap3A_326 = arith.index_cast %add3A_269 : i32 to index
      %swap3A_327 = arith.constant 96 : index
      %swap3A_328 = tpu.vector_load %arg8[%swap3A_326, %swap3A_327] {strides = array<i32>} : memref<200x128xf32, #tpu.memory_space<vmem>>, vector<1x16xf32>,
      %swap3A_329 = vector.shape_cast %swap3A_328 : vector<1x16xf32> to vector<16xf32>
      %swap3A_330 = vector.shape_cast %get3A_325 : vector<16xf32> to vector<1x16xf32>
      tpu.vector_store %arg8[%swap3A_326, %swap3A_327], %swap3A_330 {add = true, strides = array<i32>} : memref<200x128xf32, #tpu.memory_space<vmem>>, vector<1x16xf32>,
      %get3A_331 = arith.index_cast %add3A_269 : i32 to index
      %get3A_332 = arith.constant 112 : index
      %get3A_333 = tpu.vector_load %arg7[%get3A_331, %get3A_332] {strides = array<i32>} : memref<200x128xf32, #tpu.memory_space<vmem>>, vector<1x16xf32>,
      %get3A_334 = vector.shape_cast %get3A_333 : vector<1x16xf32> to vector<16xf32>
      %swap3A_335 = arith.index_cast %add3A_269 : i32 to index
      %swap3A_336 = arith.constant 112 : index
      %swap3A_337 = tpu.vector_load %arg8[%swap3A_335, %swap3A_336] {strides = array<i32>} : memref<200x128xf32, #tpu.memory_space<vmem>>, vector<1x16xf32>,
      %swap3A_338 = vector.shape_cast %swap3A_337 : vector<1x16xf32> to vector<16xf32>
      %swap3A_339 = vector.shape_cast %get3A_334 : vector<16xf32> to vector<1x16xf32>
      tpu.vector_store %arg8[%swap3A_335, %swap3A_336], %swap3A_339 {add = true, strides = array<i32>} : memref<200x128xf32, #tpu.memory_space<vmem>>, vector<1x16xf32>,
    }
    %scan3A_122 = arith.constant 72 : i32
    %add3A_123 = arith.constant 30 : i32
    %add3A_124 = arith.addi %mul3A_2, %add3A_123 : i32
    %dma_start3A_125 = arith.constant 128 : i32
    %dma_start3A_126 = arith.constant 0 : i32
    %dma_start3A_127 = tpu.memref_slice %arg8[%dma_start3A_125, %dma_start3A_126] : memref<200x128xf32, #tpu.memory_space<vmem>> -> memref<72x128xf32, #tpu.memory_space<vmem>>
    %dma_start3A_128 = arith.constant 128 : i32
    %dma_start3A_129 = arith.constant 0 : i32
    %dma_start3A_130 = tpu.memref_slice %arg5[%add3A_124, %dma_start3A_128, %dma_start3A_129] : memref<1024x200x128xf32, #tpu.memory_space<hbm>> -> memref<1x72x128xf32, #tpu.memory_space<hbm>>
    %dma_start3A_131 = tpu.memref_squeeze %dma_start3A_130 : memref<1x72x128xf32, #tpu.memory_space<hbm>> -> memref<72x128xf32, #tpu.memory_space<hbm>>
    %dma_start3A_132 = arith.constant 128 : i32
    %dma_start3A_133 = arith.constant 0 : i32
    %dma_start3A_134 = tpu.memref_slice %arg5[%add3A_124, %dma_start3A_132, %dma_start3A_133] : memref<1024x200x128xf32, #tpu.memory_space<hbm>> -> memref<1x72x128xf32, #tpu.memory_space<hbm>>
    %dma_start3A_135 = tpu.memref_squeeze %dma_start3A_134 : memref<1x72x128xf32, #tpu.memory_space<hbm>> -> memref<72x128xf32, #tpu.memory_space<hbm>>
    %dma_start3A_136 = arith.constant 128 : i32
    %dma_start3A_137 = arith.constant 0 : i32
    %dma_start3A_138 = tpu.memref_slice %arg8[%dma_start3A_136, %dma_start3A_137] : memref<200x128xf32, #tpu.memory_space<vmem>> -> memref<72x128xf32, #tpu.memory_space<vmem>>
    tpu.enqueue_dma source(%dma_start3A_138 : memref<72x128xf32, #tpu.memory_space<vmem>>) target(%dma_start3A_135 : memref<72x128xf32, #tpu.memory_space<hbm>>) target_semaphore(%arg14 : memref<!tpu.dma_semaphore, #tpu.memory_space<semaphore_mem>>)
    %dma_wait3A_139 = arith.constant 31 : i32
    %dma_wait3A_140 = arith.constant 0 : i32
    %dma_wait3A_141 = arith.constant 0 : i32
    %dma_wait3A_142 = tpu.memref_slice %arg9[%dma_wait3A_140, %dma_wait3A_141] : memref<200x128xf32, #tpu.memory_space<vmem>> -> memref<128x128xf32, #tpu.memory_space<vmem>>
    %dma_wait3A_143 = arith.constant 0 : i32
    %dma_wait3A_144 = tpu.memref_slice %arg6[%dma_wait3A_139, %dma_wait3A_143] : memref<32x200xi32, #tpu.memory_space<vmem>> -> memref<1x128xi32, #tpu.memory_space<vmem>>
    %dma_wait3A_145 = tpu.memref_squeeze %dma_wait3A_144 : memref<1x128xi32, #tpu.memory_space<vmem>> -> memref<128xi32, #tpu.memory_space<vmem>>
    %dma_wait3A_146 = arith.constant 0 : i32
    %dma_wait3A_147 = arith.constant 0 : i32
    %dma_wait3A_148 = tpu.memref_slice %arg3[%dma_wait3A_146, %dma_wait3A_147] : memref<100000x128xf32, #tpu.memory_space<hbm>> -> memref<100000x128xf32, #tpu.memory_space<hbm>>
    tpu.wait_indirect_dma semaphore(%arg12 : memref<!tpu.dma_semaphore, #tpu.memory_space<semaphore_mem>>) src(%dma_wait3A_148 : memref<100000x128xf32, #tpu.memory_space<hbm>>) dst(%dma_wait3A_142 : memref<128x128xf32, #tpu.memory_space<vmem>>)
    %scan3A_149 = arith.constant 0 : i32
    %scan3A_150 = arith.constant 128 : i32
    %scan3A_151 = arith.addi %scan3A_149, %scan3A_150 : i32
    %scan3A_152 = arith.constant 1 : i32
    scf.for %scan3A_265 = %scan3A_149 to %scan3A_151 step %scan3A_152  : i32 {
      %mul3A_266 = arith.constant 1 : i32
      %mul3A_267 = arith.muli %scan3A_265, %mul3A_266 : i32
      %add3A_268 = arith.constant 0 : i32
      %add3A_269 = arith.addi %add3A_268, %mul3A_267 : i32
      %get3A = arith.index_cast %add3A_269 : i32 to index
      %get3A_270 = arith.constant 0 : index
      %get3A_271 = tpu.vector_load %arg7[%get3A, %get3A_270] {strides = array<i32>} : memref<200x128xf32, #tpu.memory_space<vmem>>, vector<1x16xf32>,
      %get3A_272 = vector.shape_cast %get3A_271 : vector<1x16xf32> to vector<16xf32>
      %swap3A = arith.index_cast %add3A_269 : i32 to index
      %swap3A_273 = arith.constant 0 : index
      %swap3A_274 = tpu.vector_load %arg9[%swap3A, %swap3A_273] {strides = array<i32>} : memref<200x128xf32, #tpu.memory_space<vmem>>, vector<1x16xf32>,
      %swap3A_275 = vector.shape_cast %swap3A_274 : vector<1x16xf32> to vector<16xf32>
      %swap3A_276 = vector.shape_cast %get3A_272 : vector<16xf32> to vector<1x16xf32>
      tpu.vector_store %arg9[%swap3A, %swap3A_273], %swap3A_276 {add = true, strides = array<i32>} : memref<200x128xf32, #tpu.memory_space<vmem>>, vector<1x16xf32>,
      %get3A_277 = arith.index_cast %add3A_269 : i32 to index
      %get3A_278 = arith.constant 16 : index
      %get3A_279 = tpu.vector_load %arg7[%get3A_277, %get3A_278] {strides = array<i32>} : memref<200x128xf32, #tpu.memory_space<vmem>>, vector<1x16xf32>,
      %get3A_280 = vector.shape_cast %get3A_279 : vector<1x16xf32> to vector<16xf32>
      %swap3A_281 = arith.index_cast %add3A_269 : i32 to index
      %swap3A_282 = arith.constant 16 : index
      %swap3A_283 = tpu.vector_load %arg9[%swap3A_281, %swap3A_282] {strides = array<i32>} : memref<200x128xf32, #tpu.memory_space<vmem>>, vector<1x16xf32>,
      %swap3A_284 = vector.shape_cast %swap3A_283 : vector<1x16xf32> to vector<16xf32>
      %swap3A_285 = vector.shape_cast %get3A_280 : vector<16xf32> to vector<1x16xf32>
      tpu.vector_store %arg9[%swap3A_281, %swap3A_282], %swap3A_285 {add = true, strides = array<i32>} : memref<200x128xf32, #tpu.memory_space<vmem>>, vector<1x16xf32>,
      %get3A_286 = arith.index_cast %add3A_269 : i32 to index
      %get3A_287 = arith.constant 32 : index
      %get3A_288 = tpu.vector_load %arg7[%get3A_286, %get3A_287] {strides = array<i32>} : memref<200x128xf32, #tpu.memory_space<vmem>>, vector<1x16xf32>,
      %get3A_289 = vector.shape_cast %get3A_288 : vector<1x16xf32> to vector<16xf32>
      %swap3A_290 = arith.index_cast %add3A_269 : i32 to index
      %swap3A_291 = arith.constant 32 : index
      %swap3A_292 = tpu.vector_load %arg9[%swap3A_290, %swap3A_291] {strides = array<i32>} : memref<200x128xf32, #tpu.memory_space<vmem>>, vector<1x16xf32>,
      %swap3A_293 = vector.shape_cast %swap3A_292 : vector<1x16xf32> to vector<16xf32>
      %swap3A_294 = vector.shape_cast %get3A_289 : vector<16xf32> to vector<1x16xf32>
      tpu.vector_store %arg9[%swap3A_290, %swap3A_291], %swap3A_294 {add = true, strides = array<i32>} : memref<200x128xf32, #tpu.memory_space<vmem>>, vector<1x16xf32>,
      %get3A_295 = arith.index_cast %add3A_269 : i32 to index
      %get3A_296 = arith.constant 48 : index
      %get3A_297 = tpu.vector_load %arg7[%get3A_295, %get3A_296] {strides = array<i32>} : memref<200x128xf32, #tpu.memory_space<vmem>>, vector<1x16xf32>,
      %get3A_298 = vector.shape_cast %get3A_297 : vector<1x16xf32> to vector<16xf32>
      %swap3A_299 = arith.index_cast %add3A_269 : i32 to index
      %swap3A_300 = arith.constant 48 : index
      %swap3A_301 = tpu.vector_load %arg9[%swap3A_299, %swap3A_300] {strides = array<i32>} : memref<200x128xf32, #tpu.memory_space<vmem>>, vector<1x16xf32>,
      %swap3A_302 = vector.shape_cast %swap3A_301 : vector<1x16xf32> to vector<16xf32>
      %swap3A_303 = vector.shape_cast %get3A_298 : vector<16xf32> to vector<1x16xf32>
      tpu.vector_store %arg9[%swap3A_299, %swap3A_300], %swap3A_303 {add = true, strides = array<i32>} : memref<200x128xf32, #tpu.memory_space<vmem>>, vector<1x16xf32>,
      %get3A_304 = arith.index_cast %add3A_269 : i32 to index
      %get3A_305 = arith.constant 64 : index
      %get3A_306 = tpu.vector_load %arg7[%get3A_304, %get3A_305] {strides = array<i32>} : memref<200x128xf32, #tpu.memory_space<vmem>>, vector<1x16xf32>,
      %get3A_307 = vector.shape_cast %get3A_306 : vector<1x16xf32> to vector<16xf32>
      %swap3A_308 = arith.index_cast %add3A_269 : i32 to index
      %swap3A_309 = arith.constant 64 : index
      %swap3A_310 = tpu.vector_load %arg9[%swap3A_308, %swap3A_309] {strides = array<i32>} : memref<200x128xf32, #tpu.memory_space<vmem>>, vector<1x16xf32>,
      %swap3A_311 = vector.shape_cast %swap3A_310 : vector<1x16xf32> to vector<16xf32>
      %swap3A_312 = vector.shape_cast %get3A_307 : vector<16xf32> to vector<1x16xf32>
      tpu.vector_store %arg9[%swap3A_308, %swap3A_309], %swap3A_312 {add = true, strides = array<i32>} : memref<200x128xf32, #tpu.memory_space<vmem>>, vector<1x16xf32>,
      %get3A_313 = arith.index_cast %add3A_269 : i32 to index
      %get3A_314 = arith.constant 80 : index
      %get3A_315 = tpu.vector_load %arg7[%get3A_313, %get3A_314] {strides = array<i32>} : memref<200x128xf32, #tpu.memory_space<vmem>>, vector<1x16xf32>,
      %get3A_316 = vector.shape_cast %get3A_315 : vector<1x16xf32> to vector<16xf32>
      %swap3A_317 = arith.index_cast %add3A_269 : i32 to index
      %swap3A_318 = arith.constant 80 : index
      %swap3A_319 = tpu.vector_load %arg9[%swap3A_317, %swap3A_318] {strides = array<i32>} : memref<200x128xf32, #tpu.memory_space<vmem>>, vector<1x16xf32>,
      %swap3A_320 = vector.shape_cast %swap3A_319 : vector<1x16xf32> to vector<16xf32>
      %swap3A_321 = vector.shape_cast %get3A_316 : vector<16xf32> to vector<1x16xf32>
      tpu.vector_store %arg9[%swap3A_317, %swap3A_318], %swap3A_321 {add = true, strides = array<i32>} : memref<200x128xf32, #tpu.memory_space<vmem>>, vector<1x16xf32>,
      %get3A_322 = arith.index_cast %add3A_269 : i32 to index
      %get3A_323 = arith.constant 96 : index
      %get3A_324 = tpu.vector_load %arg7[%get3A_322, %get3A_323] {strides = array<i32>} : memref<200x128xf32, #tpu.memory_space<vmem>>, vector<1x16xf32>,
      %get3A_325 = vector.shape_cast %get3A_324 : vector<1x16xf32> to vector<16xf32>
      %swap3A_326 = arith.index_cast %add3A_269 : i32 to index
      %swap3A_327 = arith.constant 96 : index
      %swap3A_328 = tpu.vector_load %arg9[%swap3A_326, %swap3A_327] {strides = array<i32>} : memref<200x128xf32, #tpu.memory_space<vmem>>, vector<1x16xf32>,
      %swap3A_329 = vector.shape_cast %swap3A_328 : vector<1x16xf32> to vector<16xf32>
      %swap3A_330 = vector.shape_cast %get3A_325 : vector<16xf32> to vector<1x16xf32>
      tpu.vector_store %arg9[%swap3A_326, %swap3A_327], %swap3A_330 {add = true, strides = array<i32>} : memref<200x128xf32, #tpu.memory_space<vmem>>, vector<1x16xf32>,
      %get3A_331 = arith.index_cast %add3A_269 : i32 to index
      %get3A_332 = arith.constant 112 : index
      %get3A_333 = tpu.vector_load %arg7[%get3A_331, %get3A_332] {strides = array<i32>} : memref<200x128xf32, #tpu.memory_space<vmem>>, vector<1x16xf32>,
      %get3A_334 = vector.shape_cast %get3A_333 : vector<1x16xf32> to vector<16xf32>
      %swap3A_335 = arith.index_cast %add3A_269 : i32 to index
      %swap3A_336 = arith.constant 112 : index
      %swap3A_337 = tpu.vector_load %arg9[%swap3A_335, %swap3A_336] {strides = array<i32>} : memref<200x128xf32, #tpu.memory_space<vmem>>, vector<1x16xf32>,
      %swap3A_338 = vector.shape_cast %swap3A_337 : vector<1x16xf32> to vector<16xf32>
      %swap3A_339 = vector.shape_cast %get3A_334 : vector<16xf32> to vector<1x16xf32>
      tpu.vector_store %arg9[%swap3A_335, %swap3A_336], %swap3A_339 {add = true, strides = array<i32>} : memref<200x128xf32, #tpu.memory_space<vmem>>, vector<1x16xf32>,
    }
    %scan3A_153 = arith.constant 128 : i32
    %add3A_154 = arith.constant 31 : i32
    %add3A_155 = arith.addi %mul3A_2, %add3A_154 : i32
    %dma_start3A_156 = arith.constant 0 : i32
    %dma_start3A_157 = arith.constant 0 : i32
    %dma_start3A_158 = tpu.memref_slice %arg9[%dma_start3A_156, %dma_start3A_157] : memref<200x128xf32, #tpu.memory_space<vmem>> -> memref<128x128xf32, #tpu.memory_space<vmem>>
    %dma_start3A_159 = arith.constant 0 : i32
    %dma_start3A_160 = arith.constant 0 : i32
    %dma_start3A_161 = tpu.memref_slice %arg5[%add3A_155, %dma_start3A_159, %dma_start3A_160] : memref<1024x200x128xf32, #tpu.memory_space<hbm>> -> memref<1x128x128xf32, #tpu.memory_space<hbm>>
    %dma_start3A_162 = tpu.memref_squeeze %dma_start3A_161 : memref<1x128x128xf32, #tpu.memory_space<hbm>> -> memref<128x128xf32, #tpu.memory_space<hbm>>
    %dma_start3A_163 = arith.constant 0 : i32
    %dma_start3A_164 = arith.constant 0 : i32
    %dma_start3A_165 = tpu.memref_slice %arg5[%add3A_155, %dma_start3A_163, %dma_start3A_164] : memref<1024x200x128xf32, #tpu.memory_space<hbm>> -> memref<1x128x128xf32, #tpu.memory_space<hbm>>
    %dma_start3A_166 = tpu.memref_squeeze %dma_start3A_165 : memref<1x128x128xf32, #tpu.memory_space<hbm>> -> memref<128x128xf32, #tpu.memory_space<hbm>>
    %dma_start3A_167 = arith.constant 0 : i32
    %dma_start3A_168 = arith.constant 0 : i32
    %dma_start3A_169 = tpu.memref_slice %arg9[%dma_start3A_167, %dma_start3A_168] : memref<200x128xf32, #tpu.memory_space<vmem>> -> memref<128x128xf32, #tpu.memory_space<vmem>>
    tpu.enqueue_dma source(%dma_start3A_169 : memref<128x128xf32, #tpu.memory_space<vmem>>) target(%dma_start3A_166 : memref<128x128xf32, #tpu.memory_space<hbm>>) target_semaphore(%arg15 : memref<!tpu.dma_semaphore, #tpu.memory_space<semaphore_mem>>)
    %add3A_170 = arith.constant 30 : i32
    %add3A_171 = arith.addi %mul3A_2, %add3A_170 : i32
    %dma_wait3A_172 = arith.constant 0 : i32
    %dma_wait3A_173 = arith.constant 0 : i32
    %dma_wait3A_174 = tpu.memref_slice %arg8[%dma_wait3A_172, %dma_wait3A_173] : memref<200x128xf32, #tpu.memory_space<vmem>> -> memref<128x128xf32, #tpu.memory_space<vmem>>
    %dma_wait3A_175 = arith.constant 0 : i32
    %dma_wait3A_176 = arith.constant 0 : i32
    %dma_wait3A_177 = tpu.memref_slice %arg5[%add3A_171, %dma_wait3A_175, %dma_wait3A_176] : memref<1024x200x128xf32, #tpu.memory_space<hbm>> -> memref<1x128x128xf32, #tpu.memory_space<hbm>>
    %dma_wait3A_178 = tpu.memref_squeeze %dma_wait3A_177 : memref<1x128x128xf32, #tpu.memory_space<hbm>> -> memref<128x128xf32, #tpu.memory_space<hbm>>
    %dma_wait3A_179 = arith.constant 0 : i32
    %dma_wait3A_180 = arith.constant 0 : i32
    %dma_wait3A_181 = tpu.memref_slice %arg5[%add3A_171, %dma_wait3A_179, %dma_wait3A_180] : memref<1024x200x128xf32, #tpu.memory_space<hbm>> -> memref<1x128x128xf32, #tpu.memory_space<hbm>>
    %dma_wait3A_182 = tpu.memref_squeeze %dma_wait3A_181 : memref<1x128x128xf32, #tpu.memory_space<hbm>> -> memref<128x128xf32, #tpu.memory_space<hbm>>
    %dma_wait3A_183 = arith.constant 0 : i32
    %dma_wait3A_184 = arith.constant 0 : i32
    %dma_wait3A_185 = tpu.memref_slice %arg8[%dma_wait3A_183, %dma_wait3A_184] : memref<200x128xf32, #tpu.memory_space<vmem>> -> memref<128x128xf32, #tpu.memory_space<vmem>>
    tpu.wait_dma2 semaphore(%arg14 : memref<!tpu.dma_semaphore, #tpu.memory_space<semaphore_mem>>) src(%dma_wait3A_185 : memref<128x128xf32, #tpu.memory_space<vmem>>) dst(%dma_wait3A_182 : memref<128x128xf32, #tpu.memory_space<hbm>>)
    %add3A_186 = arith.constant 30 : i32
    %add3A_187 = arith.addi %mul3A_2, %add3A_186 : i32
    %dma_wait3A_188 = arith.constant 128 : i32
    %dma_wait3A_189 = arith.constant 0 : i32
    %dma_wait3A_190 = tpu.memref_slice %arg8[%dma_wait3A_188, %dma_wait3A_189] : memref<200x128xf32, #tpu.memory_space<vmem>> -> memref<72x128xf32, #tpu.memory_space<vmem>>
    %dma_wait3A_191 = arith.constant 128 : i32
    %dma_wait3A_192 = arith.constant 0 : i32
    %dma_wait3A_193 = tpu.memref_slice %arg5[%add3A_187, %dma_wait3A_191, %dma_wait3A_192] : memref<1024x200x128xf32, #tpu.memory_space<hbm>> -> memref<1x72x128xf32, #tpu.memory_space<hbm>>
    %dma_wait3A_194 = tpu.memref_squeeze %dma_wait3A_193 : memref<1x72x128xf32, #tpu.memory_space<hbm>> -> memref<72x128xf32, #tpu.memory_space<hbm>>
    %dma_wait3A_195 = arith.constant 128 : i32
    %dma_wait3A_196 = arith.constant 0 : i32
    %dma_wait3A_197 = tpu.memref_slice %arg5[%add3A_187, %dma_wait3A_195, %dma_wait3A_196] : memref<1024x200x128xf32, #tpu.memory_space<hbm>> -> memref<1x72x128xf32, #tpu.memory_space<hbm>>
    %dma_wait3A_198 = tpu.memref_squeeze %dma_wait3A_197 : memref<1x72x128xf32, #tpu.memory_space<hbm>> -> memref<72x128xf32, #tpu.memory_space<hbm>>
    %dma_wait3A_199 = arith.constant 128 : i32
    %dma_wait3A_200 = arith.constant 0 : i32
    %dma_wait3A_201 = tpu.memref_slice %arg8[%dma_wait3A_199, %dma_wait3A_200] : memref<200x128xf32, #tpu.memory_space<vmem>> -> memref<72x128xf32, #tpu.memory_space<vmem>>
    tpu.wait_dma2 semaphore(%arg14 : memref<!tpu.dma_semaphore, #tpu.memory_space<semaphore_mem>>) src(%dma_wait3A_201 : memref<72x128xf32, #tpu.memory_space<vmem>>) dst(%dma_wait3A_198 : memref<72x128xf32, #tpu.memory_space<hbm>>)
    %dma_wait3A_202 = arith.constant 31 : i32
    %dma_wait3A_203 = arith.constant 128 : i32
    %dma_wait3A_204 = arith.constant 0 : i32
    %dma_wait3A_205 = tpu.memref_slice %arg9[%dma_wait3A_203, %dma_wait3A_204] : memref<200x128xf32, #tpu.memory_space<vmem>> -> memref<72x128xf32, #tpu.memory_space<vmem>>
    %dma_wait3A_206 = arith.constant 128 : i32
    %dma_wait3A_207 = tpu.memref_slice %arg6[%dma_wait3A_202, %dma_wait3A_206] : memref<32x200xi32, #tpu.memory_space<vmem>> -> memref<1x72xi32, #tpu.memory_space<vmem>>
    %dma_wait3A_208 = tpu.memref_squeeze %dma_wait3A_207 : memref<1x72xi32, #tpu.memory_space<vmem>> -> memref<72xi32, #tpu.memory_space<vmem>>
    %dma_wait3A_209 = arith.constant 0 : i32
    %dma_wait3A_210 = arith.constant 0 : i32
    %dma_wait3A_211 = tpu.memref_slice %arg3[%dma_wait3A_209, %dma_wait3A_210] : memref<100000x128xf32, #tpu.memory_space<hbm>> -> memref<100000x128xf32, #tpu.memory_space<hbm>>
    tpu.wait_indirect_dma semaphore(%arg12 : memref<!tpu.dma_semaphore, #tpu.memory_space<semaphore_mem>>) src(%dma_wait3A_211 : memref<100000x128xf32, #tpu.memory_space<hbm>>) dst(%dma_wait3A_205 : memref<72x128xf32, #tpu.memory_space<vmem>>)
    %scan3A_212 = arith.constant 0 : i32
    %scan3A_213 = arith.constant 72 : i32
    %scan3A_214 = arith.addi %scan3A_212, %scan3A_213 : i32
    %scan3A_215 = arith.constant 1 : i32
    scf.for %scan3A_265 = %scan3A_212 to %scan3A_214 step %scan3A_215  : i32 {
      %mul3A_266 = arith.constant 1 : i32
      %mul3A_267 = arith.muli %scan3A_265, %mul3A_266 : i32
      %add3A_268 = arith.constant 128 : i32
      %add3A_269 = arith.addi %add3A_268, %mul3A_267 : i32
      %get3A = arith.index_cast %add3A_269 : i32 to index
      %get3A_270 = arith.constant 0 : index
      %get3A_271 = tpu.vector_load %arg7[%get3A, %get3A_270] {strides = array<i32>} : memref<200x128xf32, #tpu.memory_space<vmem>>, vector<1x16xf32>,
      %get3A_272 = vector.shape_cast %get3A_271 : vector<1x16xf32> to vector<16xf32>
      %swap3A = arith.index_cast %add3A_269 : i32 to index
      %swap3A_273 = arith.constant 0 : index
      %swap3A_274 = tpu.vector_load %arg9[%swap3A, %swap3A_273] {strides = array<i32>} : memref<200x128xf32, #tpu.memory_space<vmem>>, vector<1x16xf32>,
      %swap3A_275 = vector.shape_cast %swap3A_274 : vector<1x16xf32> to vector<16xf32>
      %swap3A_276 = vector.shape_cast %get3A_272 : vector<16xf32> to vector<1x16xf32>
      tpu.vector_store %arg9[%swap3A, %swap3A_273], %swap3A_276 {add = true, strides = array<i32>} : memref<200x128xf32, #tpu.memory_space<vmem>>, vector<1x16xf32>,
      %get3A_277 = arith.index_cast %add3A_269 : i32 to index
      %get3A_278 = arith.constant 16 : index
      %get3A_279 = tpu.vector_load %arg7[%get3A_277, %get3A_278] {strides = array<i32>} : memref<200x128xf32, #tpu.memory_space<vmem>>, vector<1x16xf32>,
      %get3A_280 = vector.shape_cast %get3A_279 : vector<1x16xf32> to vector<16xf32>
      %swap3A_281 = arith.index_cast %add3A_269 : i32 to index
      %swap3A_282 = arith.constant 16 : index
      %swap3A_283 = tpu.vector_load %arg9[%swap3A_281, %swap3A_282] {strides = array<i32>} : memref<200x128xf32, #tpu.memory_space<vmem>>, vector<1x16xf32>,
      %swap3A_284 = vector.shape_cast %swap3A_283 : vector<1x16xf32> to vector<16xf32>
      %swap3A_285 = vector.shape_cast %get3A_280 : vector<16xf32> to vector<1x16xf32>
      tpu.vector_store %arg9[%swap3A_281, %swap3A_282], %swap3A_285 {add = true, strides = array<i32>} : memref<200x128xf32, #tpu.memory_space<vmem>>, vector<1x16xf32>,
      %get3A_286 = arith.index_cast %add3A_269 : i32 to index
      %get3A_287 = arith.constant 32 : index
      %get3A_288 = tpu.vector_load %arg7[%get3A_286, %get3A_287] {strides = array<i32>} : memref<200x128xf32, #tpu.memory_space<vmem>>, vector<1x16xf32>,
      %get3A_289 = vector.shape_cast %get3A_288 : vector<1x16xf32> to vector<16xf32>
      %swap3A_290 = arith.index_cast %add3A_269 : i32 to index
      %swap3A_291 = arith.constant 32 : index
      %swap3A_292 = tpu.vector_load %arg9[%swap3A_290, %swap3A_291] {strides = array<i32>} : memref<200x128xf32, #tpu.memory_space<vmem>>, vector<1x16xf32>,
      %swap3A_293 = vector.shape_cast %swap3A_292 : vector<1x16xf32> to vector<16xf32>
      %swap3A_294 = vector.shape_cast %get3A_289 : vector<16xf32> to vector<1x16xf32>
      tpu.vector_store %arg9[%swap3A_290, %swap3A_291], %swap3A_294 {add = true, strides = array<i32>} : memref<200x128xf32, #tpu.memory_space<vmem>>, vector<1x16xf32>,
      %get3A_295 = arith.index_cast %add3A_269 : i32 to index
      %get3A_296 = arith.constant 48 : index
      %get3A_297 = tpu.vector_load %arg7[%get3A_295, %get3A_296] {strides = array<i32>} : memref<200x128xf32, #tpu.memory_space<vmem>>, vector<1x16xf32>,
      %get3A_298 = vector.shape_cast %get3A_297 : vector<1x16xf32> to vector<16xf32>
      %swap3A_299 = arith.index_cast %add3A_269 : i32 to index
      %swap3A_300 = arith.constant 48 : index
      %swap3A_301 = tpu.vector_load %arg9[%swap3A_299, %swap3A_300] {strides = array<i32>} : memref<200x128xf32, #tpu.memory_space<vmem>>, vector<1x16xf32>,
      %swap3A_302 = vector.shape_cast %swap3A_301 : vector<1x16xf32> to vector<16xf32>
      %swap3A_303 = vector.shape_cast %get3A_298 : vector<16xf32> to vector<1x16xf32>
      tpu.vector_store %arg9[%swap3A_299, %swap3A_300], %swap3A_303 {add = true, strides = array<i32>} : memref<200x128xf32, #tpu.memory_space<vmem>>, vector<1x16xf32>,
      %get3A_304 = arith.index_cast %add3A_269 : i32 to index
      %get3A_305 = arith.constant 64 : index
      %get3A_306 = tpu.vector_load %arg7[%get3A_304, %get3A_305] {strides = array<i32>} : memref<200x128xf32, #tpu.memory_space<vmem>>, vector<1x16xf32>,
      %get3A_307 = vector.shape_cast %get3A_306 : vector<1x16xf32> to vector<16xf32>
      %swap3A_308 = arith.index_cast %add3A_269 : i32 to index
      %swap3A_309 = arith.constant 64 : index
      %swap3A_310 = tpu.vector_load %arg9[%swap3A_308, %swap3A_309] {strides = array<i32>} : memref<200x128xf32, #tpu.memory_space<vmem>>, vector<1x16xf32>,
      %swap3A_311 = vector.shape_cast %swap3A_310 : vector<1x16xf32> to vector<16xf32>
      %swap3A_312 = vector.shape_cast %get3A_307 : vector<16xf32> to vector<1x16xf32>
      tpu.vector_store %arg9[%swap3A_308, %swap3A_309], %swap3A_312 {add = true, strides = array<i32>} : memref<200x128xf32, #tpu.memory_space<vmem>>, vector<1x16xf32>,
      %get3A_313 = arith.index_cast %add3A_269 : i32 to index
      %get3A_314 = arith.constant 80 : index
      %get3A_315 = tpu.vector_load %arg7[%get3A_313, %get3A_314] {strides = array<i32>} : memref<200x128xf32, #tpu.memory_space<vmem>>, vector<1x16xf32>,
      %get3A_316 = vector.shape_cast %get3A_315 : vector<1x16xf32> to vector<16xf32>
      %swap3A_317 = arith.index_cast %add3A_269 : i32 to index
      %swap3A_318 = arith.constant 80 : index
      %swap3A_319 = tpu.vector_load %arg9[%swap3A_317, %swap3A_318] {strides = array<i32>} : memref<200x128xf32, #tpu.memory_space<vmem>>, vector<1x16xf32>,
      %swap3A_320 = vector.shape_cast %swap3A_319 : vector<1x16xf32> to vector<16xf32>
      %swap3A_321 = vector.shape_cast %get3A_316 : vector<16xf32> to vector<1x16xf32>
      tpu.vector_store %arg9[%swap3A_317, %swap3A_318], %swap3A_321 {add = true, strides = array<i32>} : memref<200x128xf32, #tpu.memory_space<vmem>>, vector<1x16xf32>,
      %get3A_322 = arith.index_cast %add3A_269 : i32 to index
      %get3A_323 = arith.constant 96 : index
      %get3A_324 = tpu.vector_load %arg7[%get3A_322, %get3A_323] {strides = array<i32>} : memref<200x128xf32, #tpu.memory_space<vmem>>, vector<1x16xf32>,
      %get3A_325 = vector.shape_cast %get3A_324 : vector<1x16xf32> to vector<16xf32>
      %swap3A_326 = arith.index_cast %add3A_269 : i32 to index
      %swap3A_327 = arith.constant 96 : index
      %swap3A_328 = tpu.vector_load %arg9[%swap3A_326, %swap3A_327] {strides = array<i32>} : memref<200x128xf32, #tpu.memory_space<vmem>>, vector<1x16xf32>,
      %swap3A_329 = vector.shape_cast %swap3A_328 : vector<1x16xf32> to vector<16xf32>
      %swap3A_330 = vector.shape_cast %get3A_325 : vector<16xf32> to vector<1x16xf32>
      tpu.vector_store %arg9[%swap3A_326, %swap3A_327], %swap3A_330 {add = true, strides = array<i32>} : memref<200x128xf32, #tpu.memory_space<vmem>>, vector<1x16xf32>,
      %get3A_331 = arith.index_cast %add3A_269 : i32 to index
      %get3A_332 = arith.constant 112 : index
      %get3A_333 = tpu.vector_load %arg7[%get3A_331, %get3A_332] {strides = array<i32>} : memref<200x128xf32, #tpu.memory_space<vmem>>, vector<1x16xf32>,
      %get3A_334 = vector.shape_cast %get3A_333 : vector<1x16xf32> to vector<16xf32>
      %swap3A_335 = arith.index_cast %add3A_269 : i32 to index
      %swap3A_336 = arith.constant 112 : index
      %swap3A_337 = tpu.vector_load %arg9[%swap3A_335, %swap3A_336] {strides = array<i32>} : memref<200x128xf32, #tpu.memory_space<vmem>>, vector<1x16xf32>,
      %swap3A_338 = vector.shape_cast %swap3A_337 : vector<1x16xf32> to vector<16xf32>
      %swap3A_339 = vector.shape_cast %get3A_334 : vector<16xf32> to vector<1x16xf32>
      tpu.vector_store %arg9[%swap3A_335, %swap3A_336], %swap3A_339 {add = true, strides = array<i32>} : memref<200x128xf32, #tpu.memory_space<vmem>>, vector<1x16xf32>,
    }
    %scan3A_216 = arith.constant 72 : i32
    %add3A_217 = arith.constant 31 : i32
    %add3A_218 = arith.addi %mul3A_2, %add3A_217 : i32
    %dma_start3A_219 = arith.constant 128 : i32
    %dma_start3A_220 = arith.constant 0 : i32
    %dma_start3A_221 = tpu.memref_slice %arg9[%dma_start3A_219, %dma_start3A_220] : memref<200x128xf32, #tpu.memory_space<vmem>> -> memref<72x128xf32, #tpu.memory_space<vmem>>
    %dma_start3A_222 = arith.constant 128 : i32
    %dma_start3A_223 = arith.constant 0 : i32
    %dma_start3A_224 = tpu.memref_slice %arg5[%add3A_218, %dma_start3A_222, %dma_start3A_223] : memref<1024x200x128xf32, #tpu.memory_space<hbm>> -> memref<1x72x128xf32, #tpu.memory_space<hbm>>
    %dma_start3A_225 = tpu.memref_squeeze %dma_start3A_224 : memref<1x72x128xf32, #tpu.memory_space<hbm>> -> memref<72x128xf32, #tpu.memory_space<hbm>>
    %dma_start3A_226 = arith.constant 128 : i32
    %dma_start3A_227 = arith.constant 0 : i32
    %dma_start3A_228 = tpu.memref_slice %arg5[%add3A_218, %dma_start3A_226, %dma_start3A_227] : memref<1024x200x128xf32, #tpu.memory_space<hbm>> -> memref<1x72x128xf32, #tpu.memory_space<hbm>>
    %dma_start3A_229 = tpu.memref_squeeze %dma_start3A_228 : memref<1x72x128xf32, #tpu.memory_space<hbm>> -> memref<72x128xf32, #tpu.memory_space<hbm>>
    %dma_start3A_230 = arith.constant 128 : i32
    %dma_start3A_231 = arith.constant 0 : i32
    %dma_start3A_232 = tpu.memref_slice %arg9[%dma_start3A_230, %dma_start3A_231] : memref<200x128xf32, #tpu.memory_space<vmem>> -> memref<72x128xf32, #tpu.memory_space<vmem>>
    tpu.enqueue_dma source(%dma_start3A_232 : memref<72x128xf32, #tpu.memory_space<vmem>>) target(%dma_start3A_229 : memref<72x128xf32, #tpu.memory_space<hbm>>) target_semaphore(%arg15 : memref<!tpu.dma_semaphore, #tpu.memory_space<semaphore_mem>>)
    %add3A_233 = arith.constant 31 : i32
    %add3A_234 = arith.addi %mul3A_2, %add3A_233 : i32
    %dma_wait3A_235 = arith.constant 0 : i32
    %dma_wait3A_236 = arith.constant 0 : i32
    %dma_wait3A_237 = tpu.memref_slice %arg9[%dma_wait3A_235, %dma_wait3A_236] : memref<200x128xf32, #tpu.memory_space<vmem>> -> memref<128x128xf32, #tpu.memory_space<vmem>>
    %dma_wait3A_238 = arith.constant 0 : i32
    %dma_wait3A_239 = arith.constant 0 : i32
    %dma_wait3A_240 = tpu.memref_slice %arg5[%add3A_234, %dma_wait3A_238, %dma_wait3A_239] : memref<1024x200x128xf32, #tpu.memory_space<hbm>> -> memref<1x128x128xf32, #tpu.memory_space<hbm>>
    %dma_wait3A_241 = tpu.memref_squeeze %dma_wait3A_240 : memref<1x128x128xf32, #tpu.memory_space<hbm>> -> memref<128x128xf32, #tpu.memory_space<hbm>>
    %dma_wait3A_242 = arith.constant 0 : i32
    %dma_wait3A_243 = arith.constant 0 : i32
    %dma_wait3A_244 = tpu.memref_slice %arg5[%add3A_234, %dma_wait3A_242, %dma_wait3A_243] : memref<1024x200x128xf32, #tpu.memory_space<hbm>> -> memref<1x128x128xf32, #tpu.memory_space<hbm>>
    %dma_wait3A_245 = tpu.memref_squeeze %dma_wait3A_244 : memref<1x128x128xf32, #tpu.memory_space<hbm>> -> memref<128x128xf32, #tpu.memory_space<hbm>>
    %dma_wait3A_246 = arith.constant 0 : i32
    %dma_wait3A_247 = arith.constant 0 : i32
    %dma_wait3A_248 = tpu.memref_slice %arg9[%dma_wait3A_246, %dma_wait3A_247] : memref<200x128xf32, #tpu.memory_space<vmem>> -> memref<128x128xf32, #tpu.memory_space<vmem>>
    tpu.wait_dma2 semaphore(%arg15 : memref<!tpu.dma_semaphore, #tpu.memory_space<semaphore_mem>>) src(%dma_wait3A_248 : memref<128x128xf32, #tpu.memory_space<vmem>>) dst(%dma_wait3A_245 : memref<128x128xf32, #tpu.memory_space<hbm>>)
    %add3A_249 = arith.constant 31 : i32
    %add3A_250 = arith.addi %mul3A_2, %add3A_249 : i32
    %dma_wait3A_251 = arith.constant 128 : i32
    %dma_wait3A_252 = arith.constant 0 : i32
    %dma_wait3A_253 = tpu.memref_slice %arg9[%dma_wait3A_251, %dma_wait3A_252] : memref<200x128xf32, #tpu.memory_space<vmem>> -> memref<72x128xf32, #tpu.memory_space<vmem>>
    %dma_wait3A_254 = arith.constant 128 : i32
    %dma_wait3A_255 = arith.constant 0 : i32
    %dma_wait3A_256 = tpu.memref_slice %arg5[%add3A_250, %dma_wait3A_254, %dma_wait3A_255] : memref<1024x200x128xf32, #tpu.memory_space<hbm>> -> memref<1x72x128xf32, #tpu.memory_space<hbm>>
    %dma_wait3A_257 = tpu.memref_squeeze %dma_wait3A_256 : memref<1x72x128xf32, #tpu.memory_space<hbm>> -> memref<72x128xf32, #tpu.memory_space<hbm>>
    %dma_wait3A_258 = arith.constant 128 : i32
    %dma_wait3A_259 = arith.constant 0 : i32
    %dma_wait3A_260 = tpu.memref_slice %arg5[%add3A_250, %dma_wait3A_258, %dma_wait3A_259] : memref<1024x200x128xf32, #tpu.memory_space<hbm>> -> memref<1x72x128xf32, #tpu.memory_space<hbm>>
    %dma_wait3A_261 = tpu.memref_squeeze %dma_wait3A_260 : memref<1x72x128xf32, #tpu.memory_space<hbm>> -> memref<72x128xf32, #tpu.memory_space<hbm>>
    %dma_wait3A_262 = arith.constant 128 : i32
    %dma_wait3A_263 = arith.constant 0 : i32
    %dma_wait3A_264 = tpu.memref_slice %arg9[%dma_wait3A_262, %dma_wait3A_263] : memref<200x128xf32, #tpu.memory_space<vmem>> -> memref<72x128xf32, #tpu.memory_space<vmem>>
    tpu.wait_dma2 semaphore(%arg15 : memref<!tpu.dma_semaphore, #tpu.memory_space<semaphore_mem>>) src(%dma_wait3A_264 : memref<72x128xf32, #tpu.memory_space<vmem>>) dst(%dma_wait3A_261 : memref<72x128xf32, #tpu.memory_space<hbm>>)
    return
  }
}

</mosaic_0001>

<sc_bundles>
// kernel: _embed.3.cloned.1.call-start
scs
__scs_entry_jumppad:
0x0: {  	(pc) =	sbr.rel $0x88, $3  }
0x1: {  	(tag) =	ssettag $0x0;
	lr =	simm.s32 $0x1  }
0x2: {  	[smem:$0x3F9E] =	sst lr;
	_ =	strace $0xD0000000  }
0x3: {  	_ = 	snop  }
0x4: {  	_ = 	snop  }
0x5: {  	_ = 	snop  }
0x6: {  	_ = 	snop  }
0x7: {  	_ = 	snop  }
__scs_overlays_trampoline_lowered:
0x8: {  	[smem:$0x3FAD] =	sst s0  }
0x9: {  	[smem:$0x3FAE] =	sst s1  }
0xa: {  	[smem:$0x3FAF] =	sst s2  }
0xb: {  	[smem:$0x3FB0] =	sst s3  }
0xc: {  	[smem:$0x3FB1] =	sst s4  }
0xd: {  	[smem:$0x3FB2] =	sst s5  }
0xe: {  	[smem:$0x3FB3] =	sst s6  }
0xf: {  	[smem:$0x3FB4] =	sst s7  }
0x10: {  	[smem:$0x3FB5] =	sst s8  }
0x11: {  	[smem:$0x3FB6] =	sst s9;
	s0 =	simm.s32 @!p0 $0x0  }
0x12: {  	s1 =	sld [smem:$0x3F9C];
	s0 =	simm.s32 @p0 $0x1  }
0x13: {  	[smem:$0x3FB7] =	sst s0;
	s0 =	simm.s32 @!p1 $0x0  }
0x14: {  	s2 =	sld [smem:$0x3F9B];
	s0 =	simm.s32 @p1 $0x1  }
0x15: {  	[smem:$0x3FB8] =	sst s0;
	s0 =	simm.s32 @!p2 $0x0  }
0x16: {  	s3 =	sld [smem:$0x3FDB];
	s0 =	simm.s32 @p2 $0x1  }
0x17: {  	s4 =	simm.s32 $0x1BF5;
	[smem:$0x3FBA] =	sst s0  }
0x18: {  	s0 =	sld [smem:$0x3F9D];
	_ =	swait.ge [sflag:s4], $0x0  }
0x19: {  	s7 =	sld [smem:$0x3F9E]  }
0x1a: {  	s8 =	sadd.s32 $0xFFFFE003, lr  }
0x1b: {  	s9 =	sadd.s32 $0xFFFFFEF7, lr;
	s5 =	simm.s32 $0xFFFFFFFF;
	p2 =	slt.u32 s8, $0xFFFFF086  }
0x1c: {  	p1 =	slt.u32 s9, $0xF7A;
	s5 =	simm.s32 @!p2 $0x0  }
0x1d: {  	s5 =	simm.s32 @p1 $0x1;
	p0 =	seq.s32 s7, s2  }
0x1e: {  	s7 =	smul.u32 @!p0 $0xF7A, s2;
	p2 =	seq.s32 @!p0 s5, $0x0  }
0x1f: {  	s9 =	smul.u32 $0xF7A, s1;
	s8 =	simm.s32 @!p0 $0x1BF5;
	p2 =	por !p2, p0  }
0x20: {  	[sflag:s8] =	ssyncset.s32 @!p0 $0xFFFFF086;
	s6 =	sadd.s32 @!p0 s3, s7;
	s7 =	simm.s32 @!p0 $0x108  }
0x21: {  	s3 =	sadd.s32 s3, s9;
	s6 =	sadd.s32 @!p0 $0x88, s6;
	s7 =	simm.s32 @p2 $0x1082  }
0x22: {  	[simem:s7], [sflag:s8] =	dma.local @!p0 [hbm:s6], $0xF7A  }
0x23: {  	s9 =	sor.u32 $0xD0000000, s2;
	s6 =	simm.s32 $0x108;
	_ =	swait.ge @!p0 [sflag:s8], $0x0  }
0x24: {  	s3 =	sadd.s32 $0x88, s3;
	s6 =	simm.s32 @!p1 $0x1082;
	[sflag:s4] =	ssyncset.s32 $0xFFFFF086  }
0x25: {  	[simem:s6], [sflag:s4] =	dma.local [hbm:s3], $0xF7A  }
0x26: {  	[smem:$0x3F9E] =	sst s1;
	(tag) =	ssettag s2;
	_ =	strace s9  }
0x27: {  	s1 =	sld [smem:$0x3FAE]  }
0x28: {  	s2 =	sld [smem:$0x3FAF]  }
0x29: {  	s4 =	sld [smem:$0x3FB1]  }
0x2a: {  	p0 =	seq.s32 s5, $0x0;
	s5 =	sld [smem:$0x3FB2]  }
0x2b: {  	s6 =	sld [smem:$0x3FB3]  }
0x2c: {  	s7 =	sld [smem:$0x3FB4]  }
0x2d: {  	s3 =	simm.s32 $0x108;
	s8 =	sld [smem:$0x3FB5]  }
0x2e: {  	s3 =	simm.s32 @!p0 $0x1082;
	s9 =	sld [smem:$0x3FB6]  }
0x2f: {  	lr =	sadd.s32 s0, s3;
	s0 =	sld [smem:$0x3FAD]  }
0x30: {  	s3 =	sld [smem:$0x3FB0]  }
0x31: {  	[smem:$0x3FB9] =	sst s10  }
0x32: {  	s10 =	sld [smem:$0x3FB7];
	_ =	sdelay $0x3  }
0x33: {  	p0 =	seq.s32 s10, $0x1;
	s10 =	sld [smem:$0x3FB9];
	_ =	sdelay $0x3  }
0x34: {  	[smem:$0x3FB9] =	sst s10  }
0x35: {  	s10 =	sld [smem:$0x3FB8];
	_ =	sdelay $0x3  }
0x36: {  	p1 =	seq.s32 s10, $0x1;
	s10 =	sld [smem:$0x3FB9];
	_ =	sdelay $0x3  }
0x37: {  	[smem:$0x3FB9] =	sst s10  }
0x38: {  	s10 =	sld [smem:$0x3FBA]  }
0x39: {  	_ = 	snop;
	(pc) =	sbr.ind lr, $3  }
0x3a: {  	_ = 	snop  }
0x3b: {  	_ = 	snop  }
0x3c: {  	p2 =	seq.s32 s10, $0x1;
	s10 =	sld [smem:$0x3FB9]  }
0x3d: {  	_ =	shalt  }
0x3e: {  	_ =	shalt  }
0x3f: {  	_ =	shalt  }
0x40: {  	_ =	shalt  }
0x41: {  	_ =	shalt  }
0x42: {  	_ =	shalt  }
0x43: {  	_ =	shalt  }
0x44: {  	_ =	shalt  }
0x45: {  	_ =	shalt  }
0x46: {  	_ =	shalt  }
0x47: {  	_ =	shalt  }
0x48: {  	_ =	shalt  }
0x49: {  	_ =	shalt  }
0x4a: {  	_ =	shalt  }
0x4b: {  	_ =	shalt  }
0x4c: {  	_ =	shalt  }
0x4d: {  	_ =	shalt  }
0x4e: {  	_ =	shalt  }
0x4f: {  	_ =	shalt  }
0x50: {  	_ =	shalt  }
0x51: {  	_ =	shalt  }
0x52: {  	_ =	shalt  }
0x53: {  	_ =	shalt  }
0x54: {  	_ =	shalt  }
0x55: {  	_ =	shalt  }
0x56: {  	_ =	shalt  }
0x57: {  	_ =	shalt  }
0x58: {  	_ =	shalt  }
0x59: {  	_ =	shalt  }
0x5a: {  	_ =	shalt  }
0x5b: {  	_ =	shalt  }
0x5c: {  	_ =	shalt  }
0x5d: {  	_ =	shalt  }
0x5e: {  	_ =	shalt  }
0x5f: {  	_ =	shalt  }
0x60: {  	_ =	shalt  }
0x61: {  	_ =	shalt  }
0x62: {  	_ =	shalt  }
0x63: {  	_ =	shalt  }
0x64: {  	_ =	shalt  }
0x65: {  	_ =	shalt  }
0x66: {  	_ =	shalt  }
0x67: {  	_ =	shalt  }
0x68: {  	_ =	shalt  }
0x69: {  	_ =	shalt  }
0x6a: {  	_ =	shalt  }
0x6b: {  	_ =	shalt  }
0x6c: {  	_ =	shalt  }
0x6d: {  	_ =	shalt  }
0x6e: {  	_ =	shalt  }
0x6f: {  	_ =	shalt  }
0x70: {  	_ =	shalt  }
0x71: {  	_ =	shalt  }
0x72: {  	_ =	shalt  }
0x73: {  	_ =	shalt  }
0x74: {  	_ =	shalt  }
0x75: {  	_ =	shalt  }
0x76: {  	_ =	shalt  }
0x77: {  	_ =	shalt  }
0x78: {  	_ =	shalt  }
0x79: {  	_ =	shalt  }
0x7a: {  	_ =	shalt  }
0x7b: {  	_ =	shalt  }
0x7c: {  	_ =	shalt  }
0x7d: {  	_ =	shalt  }
0x7e: {  	_ =	shalt  }
0x7f: {  	_ =	shalt  }
0x80: {  	_ =	shalt  }
0x81: {  	_ =	shalt  }
0x82: {  	_ =	shalt  }
0x83: {  	_ =	shalt  }
0x84: {  	_ =	shalt  }
0x85: {  	_ =	shalt  }
0x86: {  	_ =	shalt  }
0x87: {  	_ =	shalt  }
.Lfunc_end0:
.L_simem_size_0:
called_computation_lowered:
.L_overlay_start_0:
0x88: {  	s2 =	sld [smem:$0x3FD9]  }
0x89: {  	s3 =	sld [smem:$0x3FFE];
	_ =	sdelay $0x1  }
0x8a: {  	s1 =	srdreg.scid  }
0x8b: {  	s0 =	sand.u32 $0x1, s1  }
0x8c: {  	s17 =	sshll.u32 s0, $0xA;
	s2 =	sadd.s32 s3, s2  }
0x8d: {  	s2 =	sadd.s32 s2, s17  }
0x8e: {  	[smem:$0x3FC5] =	sst s2  }
0x8f: {  	_ = 	snop  }
0x90: {  	s2 =	sld [smem:$0x3FC8]  }
0x91: {  	s18 =	sld [smem:$0x3FC7]  }
0x92: {  	s4 =	sld [smem:$0x3FD0];
	(tm) =	ssettm $0x1  }
0x93: {  	s5 =	sld [smem:$0x3FFB];
	_ =	sdelay $0x3  }
0x94: {  	_ =	strace s5  }
0x95: {  	s5 =	sld [smem:$0x3FFC];
	_ =	sdelay $0x3  }
0x96: {  	_ =	strace s5  }
0x97: {  	s5 =	sld [smem:$0x3FFD];
	_ =	sdelay $0x3  }
0x98: {  	_ =	strace s5  }
0x99: {  	_ =	strace $0x8FFFFFFF  }
0x9a: {  	s19 =	sld [smem:$0x3FDB];
	_ =	sdelay $0x1  }
0x9b: {  	s6 =	simm.s32 $_scs_section_size  }
0x9c: {  	s7 =	simm.s32 $_size__tile_overlayer_lowered;
	s8 =	simm.s32 $_tile_overlayer_lowered  }
0x9d: {  	s22 =	simm.s32 $0x1BFF;
	s21 =	sshll.u32 s8, $0x1;
	s5 =	sadd.s32 s6, s19  }
0x9e: {  	s9 =	simm.s32 $0x0;
	s20 =	sshll.u32 s7, $0x1;
	s7 =	sadd.s32 s21, s5  }
0x9f: {  	[timem:s9], [sflag:s22] =	dma.local [hbm:s7], s20  }
0xa0: {  	_ =	swait.ge [sflag:s22], s20  }
0xa1: {  	s6 =	ssub.s32 $0x0, s20;
	[sflag:s22] =	ssyncset.done $0x0  }
0xa2: {  	[sflag:s22] =	ssyncadd.s32 s6;
	_ =	sdelay $0x1  }
0xa3: {  	s23 =	simm.s32 $0x1B8B  }
0xa4: {  	_ =	swait.ge [sflag:s23], $0x1  }
0xa5: {  	[sflag:s23] =	ssyncset.done $0x0  }
0xa6: {  	s25 =	simm.s32 $0x1B8E;
	s24 =	sld [smem:$0x3FFE];
	[sflag:s23] =	ssyncadd.s32 $0xFFFFFFFF  }
0xa7: {  	s26 =	simm.s32 $execute0_lowered;
	[smem:$0x3FD2] =	sst s25  }
0xa8: {  	s7 =	sshll.u32 s26, $0x1;
	_ =	strace $0x80000046;
	[dreg:$0x1] =	wrdreg $0xFFFFFFFF  }
0xa9: {  	s28 =	simm.s32 $_size_execute0_lowered;
	s5 =	sadd.s32 s5, s7;
	[dreg:$0x0] =	wrdreg $0x0  }
0xaa: {  	s7 =	sshll.u32 s28, $0x1;
	[dreg:$0x2] =	wrdreg s5  }
0xab: {  	[dreg:$0x3] =	wrdreg s7  }
0xac: {  	[dreg:$0x4] =	wrdreg $0xC0  }
0xad: {  	_ =	task [dreg:s9], $0x5FFFF  }
0xae: {  	[dreg:$0x1] =	wrdreg $0xFFFFFFFF  }
0xaf: {  	[dreg:$0x0] =	wrdreg $0x60  }
0xb0: {  	[dreg:$0x2] =	wrdreg s24  }
0xb1: {  	[dreg:$0x3] =	wrdreg s2  }
0xb2: {  	[dreg:$0x4] =	wrdreg s18  }
0xb3: {  	[dreg:$0x5] =	wrdreg s4  }
0xb4: {  	[dreg:$0x6] =	wrdreg $0x9  }
0xb5: {  	_ =	task.clear_ibuf [dreg:s9], $0x7FFFF;
	_ =	strace $0x90000046  }
0xb6: {  	s29 =	simm.s32 $0x9;
	_ =	strace $0x80000048  }
0xb7: {  	_ =	swait.ge [sflag:s29], $0x1  }
0xb8: {  	[sflag:s29] =	ssyncadd.s32 $0xFFFFFFFF  }
0xb9: {  	_ =	strace $0x90000048  }
0xba: {  	_ =	sfence  }
0xbb: {  	s30 =	sld [smem:$0x0];
	_ =	sdelay $0x2  }
0xbc: {  	s31 =	sshll.u32 s1, $0xD;
	s1 =	sshrl.u32 s1, $0x2  }
0xbd: {  	s3 =	sand.u32 $0x4000, s31;
	s1 =	sadd.s32 s1, s30  }
0xbe: {  	s0 =	sor.u32 s3, s0;
	s1 =	sshll.u32 s1, $0x11  }
0xbf: {  	s0 =	sor.u32 s1, s0  }
0xc0: {  	s0 =	sadd.s32 $0x8F2B, s0  }
0xc1: {  	[sflag:s0] =	ssyncadd.remote.s32 $0x1  }
0xc2: {  	_ =	sfence.sel $0xFFFF  }
0xc3: {  	[dreg:$0x0] =	wrdreg $0xFFFFFFFF;
	(pc) =	sbr.abs _section_cstart, $3  }
0xc4: {  	[dreg:$0x1] =	wrdreg $0xFFFFFFFF  }
0xc5: {  	_ =	task.clear_ibuf [dreg:s9], $0x2FFFF;
	_ =	strace $0x9FFFFFFF  }
0xc6: {  	(tm) =	ssettm $0x7FFFFFFF  }
0xc7: {  	_ =	shalt  }
tec
execute0_lowered:
.L_overlay_start_1:
0x0: {  	(tag) =	ssettag $0x1  }
0x1: {  	s0 =	rddreg [dreg:$0x0]  }
0x2: {  	s1 =	rddreg [dreg:$0x1]  }
0x3: {  	s2 =	srdreg.scid;
	s3 =	stileid.u32  }
0x4: {  	s4 =	rddreg [dreg:$0x3];
	s5 =	simm.s32 $0x0;
	s14 =	simm.s32 $0x7  }
0x5: {  	s16 =	simm.s32 $0x80;
	s17 =	simm.s32 $0x8400;
	s18 =	simm.s32 $0x48  }
0x6: {  	s20 =	simm.s32 $0xC400;
	s21 =	simm.s32 $0xE800;
	s23 =	simm.s32 $0x12800  }
0x7: {  	s24 =	simm.s32 $0x1;
	s28 =	simm.s32 $0x2;
	s29 =	simm.s32 $0x4  }
0x8: {  	s30 =	simm.s32 $0x3;
	s31 =	simm.s32 $0x5;
	s2 =	sand.u32 $0x1, s2  }
0x9: {  	s3 =	sshll.u32 s3, $0x6;
	[smem:$0x7FF] =	sst s5;
	s6 =	sshll.u32 s2, $0x5  }
0xa: {  	s2 =	ssub.s32 $0x2, s2;
	_ =	strace $0x80000047;
	s6 =	sor.u32 s6, s3  }
0xb: {  	s8 =	sshrl.u32 s2, $0x1;
	s3 =	smul.u32 $0x6400, s6;
	s7 =	sshll.u32 s6, $0x5  }
0xc: {  	s2 =	ssub.s32 s2, s8;
	s8 =	sor.u32 $0x1, s6;
	s0 =	sadd.s32 s7, s0  }
0xd: {  	s13 =	smax.u32 s2, $0x1;
	s3 =	sshrl.u32 s3, $0x3;
	s0 =	sadd.s32 $0x400, s0  }
0xe: {  	s2 =	simm.s32 $0x6;
	[dreg:$0x5] =	wrdreg s0;
	s25 =	sadd.s32 s4, s3  }
0xf: {  	s0 =	simm.s32 $0x0;
	s3 =	sadd.s32 $0x17700, s25;
	s26 =	sadd.s32 $0x17F00, s25  }
0x10: {  	s11 =	sadd.s32 $0x18380, s25;
	s12 =	sadd.s32 $0x18B80, s25;
	[dreg:$0x6] =	wrdreg s3  }
0x11: {  	s25 =	simm.s32 $0x14C00;
	[dreg:$0x7] =	wrdreg s26;
	s26 =	simm.s32 $0x18C00  }
.LBB2_1:
0x12: {  	s3 =	rddreg [dreg:$0x5]  }
0x13: {  	[tilespmem:s5], [sflag:$0x7] =	stream.linear.gather [hbm4b:s3+s5], $0x2000, $0x38;
	[tilespmem:$0x1B000] =	vst v63  }
0x14: {  	_ =	swait.ge [sflag:s14], $0x2000  }
0x15: {  	[sflag:s14] =	ssyncset.done $0x0  }
0x16: {  	[sflag:s14] =	ssyncadd.s32 $0xFFFFE000  }
0x17: {  	s7 =	simm.s32 $0x2000;
	s15 =	rddreg [dreg:$0x2]  }
0x18: {  	[tilespmem:s7], [sflag:$0x7] =	stream.linear.gather [hbm4b:s15+s5], $0x6400, $0x38;
	[tilespmem:$0x1B000] =	vst v63  }
0x19: {  	_ =	swait.ge [sflag:s14], $0x6400  }
0x1a: {  	[sflag:s14] =	ssyncset.done $0x0  }
0x1b: {  	[sflag:s14] =	ssyncadd.s32 $0xFFFF9C00  }
0x1c: {  	[tilespmem:s17], [sflag:$0x1] =	stream.indirect.gather [hbm4b:s1+s16], $0x80, s5, s16, $0xb8;
	[tilespmem:$0x1B000] =	vst v63  }
0x1d: {  	s19 =	simm.s32 $0x400  }
0x1e: {  	[tilespmem:s20], [sflag:$0x1] =	stream.indirect.gather [hbm4b:s1+s18], $0x80, s19, s18, $0xb8;
	[tilespmem:$0x1B000] =	vst v63  }
0x1f: {  	_ = 	snop  }
0x20: {  	[tilespmem:s21], [sflag:$0x2] =	stream.indirect.gather [hbm4b:s1+s16], $0x80, s16, s16, $0xb8;
	[tilespmem:$0x1B000] =	vst v63  }
0x21: {  	s22 =	simm.s32 $0x480;
	s3 =	simm.s32 $0x0  }
0x22: {  	[tilespmem:s23], [sflag:$0x2] =	stream.indirect.gather [hbm4b:s1+s18], $0x80, s22, s18, $0xb8;
	[tilespmem:$0x1B000] =	vst v63  }
.LBB2_2:
0x23: {  	_ =	swait.ge [sflag:s24], $0x4000  }
0x24: {  	[sflag:s24] =	ssyncset.done $0x0  }
0x25: {  	s19 =	simm.s32 $0x0;
	s7 =	simm.s32 $0x200;
	[sflag:s24] =	ssyncadd.s32 $0xFFFFC000  }
.LBB2_3:
0x26: {  	p0 =	sne.s32 s7, $0xFE00;
	v0 =	vld [tilespmem:s19+$0x2070]  }
0x27: {  	v1 =	vld [tilespmem:s19+$0x2000]  }
0x28: {  	v2 =	vld [tilespmem:s19+$0x2010]  }
0x29: {  	v3 =	vld [tilespmem:s19+$0x2020]  }
0x2a: {  	v4 =	vld [tilespmem:s19+$0x2030]  }
0x2b: {  	[tilespmem:s19+$0x8470] =	vst.add.f32.msk $0xffff, v0  }
0x2c: {  	v0 =	vld [tilespmem:s19+$0x2040]  }
0x2d: {  	v5 =	vld [tilespmem:s19+$0x2050]  }
0x2e: {  	v6 =	vld [tilespmem:s19+$0x2060]  }
0x2f: {  	[tilespmem:s19+$0x8400] =	vst.add.f32.msk $0xffff, v1  }
0x30: {  	[tilespmem:s19+$0x8410] =	vst.add.f32.msk $0xffff, v2  }
.Ltmp0:
0x31: {  	[tilespmem:s19+$0x8420] =	vst.add.f32.msk $0xffff, v3;
	(pc) =	sbr.rel @p0 .LBB2_3-.Ltmp0, $4  }
0x32: {  	[tilespmem:s19+$0x8430] =	vst.add.f32.msk $0xffff, v4  }
0x33: {  	[tilespmem:s19+$0x8440] =	vst.add.f32.msk $0xffff, v0  }
0x34: {  	[tilespmem:s19+$0x8450] =	vst.add.f32.msk $0xffff, v5  }
0x35: {  	[tilespmem:s19+$0x8460] =	vst.add.f32.msk $0xffff, v6;
	s19 =	sshra.s32 s7, $0x2;
	s7 =	sadd.s32 $0x200, s7  }
0x36: {  	v0 =	vld [tilespmem:s19+$0x2070]  }
0x37: {  	v1 =	vld [tilespmem:s19+$0x2000]  }
0x38: {  	v2 =	vld [tilespmem:s19+$0x2010]  }
0x39: {  	v3 =	vld [tilespmem:s19+$0x2020]  }
0x3a: {  	v4 =	vld [tilespmem:s19+$0x2030]  }
0x3b: {  	v63 =	vld [tilespmem:s19+$0x2040]  }
0x3c: {  	v5 =	vld [tilespmem:s19+$0x2050]  }
0x3d: {  	v6 =	vld [tilespmem:s19+$0x2060]  }
0x3e: {  	[tilespmem:s19+$0x8470] =	vst.add.f32.msk $0xffff, v0  }
0x3f: {  	s15 =	smul.u32 $0x3, s3;
	[tilespmem:s19+$0x8400] =	vst.add.f32.msk $0xffff, v1  }
0x40: {  	[tilespmem:s19+$0x8410] =	vst.add.f32.msk $0xffff, v2  }
0x41: {  	s7 =	sadd.s32 s6, s15;
	[tilespmem:s19+$0x8420] =	vst.add.f32.msk $0xffff, v3  }
0x42: {  	s7 =	smul.u32 $0x6400, s7;
	[tilespmem:s19+$0x8430] =	vst.add.f32.msk $0xffff, v4  }
0x43: {  	[tilespmem:s19+$0x8440] =	vst.add.f32.msk $0xffff, v63  }
0x44: {  	p0 =	seq.s32 s3, $0x0;
	[tilespmem:s19+$0x8450] =	vst.add.f32.msk $0xffff, v5;
	s7 =	sshrl.u32 s7, $0x3  }
0x45: {  	[tilespmem:s19+$0x8460] =	vst.add.f32.msk $0xffff, v6;
	s22 =	sadd.s32 s4, s7;
	s7 =	simm.s32 @!p0 $0x6  }
0x46: {  	[hbm4b:s22+s5] =	stream.linear.scatter [tilespmem:s17], [sflag:$0x4], $0x4000, $0x38;
	[tilespmem:$0x1B000] =	vst v63  }
0x47: {  	_ =	swait.ge @!p0 [sflag:s7], $0x4000  }
0x48: {  	[sflag:s7] =	ssyncset.done @!p0 $0x0  }
0x49: {  	s19 =	sadd.s32 $0x2, s15;
	[sflag:s7] =	ssyncadd.s32 @!p0 $0xFFFFC000  }
0x4a: {  	s9 =	sshll.u32 s19, $0x8;
	s10 =	sshll.u32 s19, $0x7;
	_ =	swait.ge @!p0 [sflag:s7], $0x2400  }
0x4b: {  	s9 =	sand.u32 $0x7800, s9;
	s10 =	sand.u32 $0x380, s10;
	[sflag:s7] =	ssyncset.done @!p0 $0x0  }
0x4c: {  	s10 =	sor.u32 s10, s9;
	[sflag:s7] =	ssyncadd.s32 @!p0 $0xFFFFDC00  }
0x4d: {  	[tilespmem:s25], [sflag:$0x3] =	stream.indirect.gather [hbm4b:s1+s16], $0x80, s10, s16, $0xb8;
	[tilespmem:$0x1B000] =	vst v63  }
0x4e: {  	s7 =	sor.u32 $0x400, s10  }
0x4f: {  	[tilespmem:s26], [sflag:$0x3] =	stream.indirect.gather [hbm4b:s1+s18], $0x80, s7, s18, $0xb8;
	[tilespmem:$0x1B000] =	vst v63  }
0x50: {  	_ =	swait.ge [sflag:s24], $0x2400  }
0x51: {  	[sflag:s24] =	ssyncset.done $0x0  }
0x52: {  	s9 =	simm.s32 $0x200;
	s7 =	simm.s32 $0x0;
	[sflag:s24] =	ssyncadd.s32 $0xFFFFDC00  }
.LBB2_5:
0x53: {  	p0 =	sne.s32 s9, $0x8E00;
	v0 =	vld [tilespmem:s7+$0x6070]  }
0x54: {  	v1 =	vld [tilespmem:s7+$0x6000]  }
0x55: {  	v2 =	vld [tilespmem:s7+$0x6010]  }
0x56: {  	v3 =	vld [tilespmem:s7+$0x6020]  }
0x57: {  	v4 =	vld [tilespmem:s7+$0x6030]  }
0x58: {  	[tilespmem:s7+$0xC470] =	vst.add.f32.msk $0xffff, v0  }
0x59: {  	v0 =	vld [tilespmem:s7+$0x6040]  }
0x5a: {  	v5 =	vld [tilespmem:s7+$0x6050]  }
0x5b: {  	v6 =	vld [tilespmem:s7+$0x6060]  }
0x5c: {  	[tilespmem:s7+$0xC400] =	vst.add.f32.msk $0xffff, v1  }
0x5d: {  	[tilespmem:s7+$0xC410] =	vst.add.f32.msk $0xffff, v2  }
.Ltmp1:
0x5e: {  	[tilespmem:s7+$0xC420] =	vst.add.f32.msk $0xffff, v3;
	(pc) =	sbr.rel @p0 .LBB2_5-.Ltmp1, $4  }
0x5f: {  	[tilespmem:s7+$0xC430] =	vst.add.f32.msk $0xffff, v4  }
0x60: {  	[tilespmem:s7+$0xC440] =	vst.add.f32.msk $0xffff, v0  }
0x61: {  	[tilespmem:s7+$0xC450] =	vst.add.f32.msk $0xffff, v5  }
0x62: {  	[tilespmem:s7+$0xC460] =	vst.add.f32.msk $0xffff, v6;
	s7 =	sshra.s32 s9, $0x2;
	s9 =	sadd.s32 $0x200, s9  }
0x63: {  	v0 =	vld [tilespmem:s7+$0x6070]  }
0x64: {  	v1 =	vld [tilespmem:s7+$0x6000]  }
0x65: {  	v2 =	vld [tilespmem:s7+$0x6010]  }
0x66: {  	v3 =	vld [tilespmem:s7+$0x6020]  }
0x67: {  	v4 =	vld [tilespmem:s7+$0x6030]  }
0x68: {  	v63 =	vld [tilespmem:s7+$0x6040]  }
0x69: {  	v5 =	vld [tilespmem:s7+$0x6050]  }
0x6a: {  	v6 =	vld [tilespmem:s7+$0x6060]  }
0x6b: {  	[tilespmem:s7+$0xC470] =	vst.add.f32.msk $0xffff, v0  }
0x6c: {  	[tilespmem:s7+$0xC400] =	vst.add.f32.msk $0xffff, v1  }
0x6d: {  	[tilespmem:s7+$0xC410] =	vst.add.f32.msk $0xffff, v2  }
0x6e: {  	[tilespmem:s7+$0xC420] =	vst.add.f32.msk $0xffff, v3  }
0x6f: {  	[tilespmem:s7+$0xC430] =	vst.add.f32.msk $0xffff, v4  }
0x70: {  	[tilespmem:s7+$0xC440] =	vst.add.f32.msk $0xffff, v63  }
0x71: {  	[tilespmem:s7+$0xC450] =	vst.add.f32.msk $0xffff, v5  }
0x72: {  	s22 =	sadd.s32 $0x800, s22;
	s9 =	simm.s32 $0x0;
	[tilespmem:s7+$0xC460] =	vst.add.f32.msk $0xffff, v6  }
0x73: {  	[hbm4b:s22+s9] =	stream.linear.scatter [tilespmem:s20], [sflag:$0x4], $0x2400, $0x38;
	[tilespmem:$0x1B000] =	vst v63  }
0x74: {  	_ =	swait.ge [sflag:s28], $0x4000  }
0x75: {  	[sflag:s28] =	ssyncset.done $0x0  }
0x76: {  	s7 =	simm.s32 $0x200;
	s22 =	simm.s32 $0x0;
	[sflag:s28] =	ssyncadd.s32 $0xFFFFC000  }
.LBB2_7:
0x77: {  	p0 =	sne.s32 s7, $0xFE00;
	v0 =	vld [tilespmem:s22+$0x2070]  }
0x78: {  	v1 =	vld [tilespmem:s22+$0x2000]  }
0x79: {  	v2 =	vld [tilespmem:s22+$0x2010]  }
0x7a: {  	v3 =	vld [tilespmem:s22+$0x2020]  }
0x7b: {  	v4 =	vld [tilespmem:s22+$0x2030]  }
0x7c: {  	[tilespmem:s22+$0xE870] =	vst.add.f32.msk $0xffff, v0  }
0x7d: {  	v0 =	vld [tilespmem:s22+$0x2040]  }
0x7e: {  	v5 =	vld [tilespmem:s22+$0x2050]  }
0x7f: {  	v6 =	vld [tilespmem:s22+$0x2060]  }
0x80: {  	[tilespmem:s22+$0xE800] =	vst.add.f32.msk $0xffff, v1  }
0x81: {  	[tilespmem:s22+$0xE810] =	vst.add.f32.msk $0xffff, v2  }
.Ltmp2:
0x82: {  	[tilespmem:s22+$0xE820] =	vst.add.f32.msk $0xffff, v3;
	(pc) =	sbr.rel @p0 .LBB2_7-.Ltmp2, $4  }
0x83: {  	[tilespmem:s22+$0xE830] =	vst.add.f32.msk $0xffff, v4  }
0x84: {  	[tilespmem:s22+$0xE840] =	vst.add.f32.msk $0xffff, v0  }
0x85: {  	[tilespmem:s22+$0xE850] =	vst.add.f32.msk $0xffff, v5  }
0x86: {  	[tilespmem:s22+$0xE860] =	vst.add.f32.msk $0xffff, v6;
	s22 =	sshra.s32 s7, $0x2;
	s7 =	sadd.s32 $0x200, s7  }
0x87: {  	v0 =	vld [tilespmem:s22+$0x2070]  }
0x88: {  	v1 =	vld [tilespmem:s22+$0x2000]  }
0x89: {  	v2 =	vld [tilespmem:s22+$0x2010]  }
0x8a: {  	v3 =	vld [tilespmem:s22+$0x2020]  }
0x8b: {  	v4 =	vld [tilespmem:s22+$0x2030]  }
0x8c: {  	v63 =	vld [tilespmem:s22+$0x2040]  }
0x8d: {  	v5 =	vld [tilespmem:s22+$0x2050]  }
0x8e: {  	v6 =	vld [tilespmem:s22+$0x2060]  }
0x8f: {  	[tilespmem:s22+$0xE870] =	vst.add.f32.msk $0xffff, v0  }
0x90: {  	[tilespmem:s22+$0xE800] =	vst.add.f32.msk $0xffff, v1  }
0x91: {  	[tilespmem:s22+$0xE810] =	vst.add.f32.msk $0xffff, v2  }
0x92: {  	s7 =	sadd.s32 s15, s8;
	[tilespmem:s22+$0xE820] =	vst.add.f32.msk $0xffff, v3  }
0x93: {  	s7 =	smul.u32 $0x6400, s7;
	[tilespmem:s22+$0xE830] =	vst.add.f32.msk $0xffff, v4  }
0x94: {  	[tilespmem:s22+$0xE840] =	vst.add.f32.msk $0xffff, v63  }
0x95: {  	s7 =	sshrl.u32 s7, $0x3;
	[tilespmem:s22+$0xE850] =	vst.add.f32.msk $0xffff, v5  }
0x96: {  	s9 =	simm.s32 $0x0;
	[tilespmem:s22+$0xE860] =	vst.add.f32.msk $0xffff, v6;
	s22 =	sadd.s32 s4, s7  }
0x97: {  	[hbm4b:s22+s9] =	stream.linear.scatter [tilespmem:s21], [sflag:$0x5], $0x4000, $0x38;
	[tilespmem:$0x1B000] =	vst v63  }
0x98: {  	_ =	swait.ge [sflag:s29], $0x4000  }
0x99: {  	[sflag:s29] =	ssyncset.done $0x0  }
0x9a: {  	s10 =	sadd.s32 $0x3, s15;
	[sflag:s29] =	ssyncadd.s32 $0xFFFFC000  }
0x9b: {  	s7 =	sshll.u32 s10, $0x7;
	s9 =	sshll.u32 s10, $0x8;
	_ =	swait.ge [sflag:s29], $0x2400  }
0x9c: {  	s7 =	sand.u32 $0x380, s7;
	s9 =	sand.u32 $0x7800, s9;
	[sflag:s29] =	ssyncset.done $0x0  }
0x9d: {  	s7 =	sor.u32 s7, s9;
	[sflag:s29] =	ssyncadd.s32 $0xFFFFDC00  }
0x9e: {  	[tilespmem:s17], [sflag:$0x1] =	stream.indirect.gather [hbm4b:s1+s16], $0x80, s7, s16, $0xb8;
	[tilespmem:$0x1B000] =	vst v63  }
0x9f: {  	s7 =	sor.u32 $0x400, s7  }
0xa0: {  	[tilespmem:s20], [sflag:$0x1] =	stream.indirect.gather [hbm4b:s1+s18], $0x80, s7, s18, $0xb8;
	[tilespmem:$0x1B000] =	vst v63  }
0xa1: {  	_ =	swait.ge [sflag:s28], $0x2400  }
0xa2: {  	[sflag:s28] =	ssyncset.done $0x0  }
0xa3: {  	s9 =	simm.s32 $0x200;
	s7 =	simm.s32 $0x0;
	[sflag:s28] =	ssyncadd.s32 $0xFFFFDC00  }
.LBB2_9:
0xa4: {  	p0 =	sne.s32 s9, $0x8E00;
	v0 =	vld [tilespmem:s7+$0x6070]  }
0xa5: {  	v1 =	vld [tilespmem:s7+$0x6000]  }
0xa6: {  	v2 =	vld [tilespmem:s7+$0x6010]  }
0xa7: {  	v3 =	vld [tilespmem:s7+$0x6020]  }
0xa8: {  	v4 =	vld [tilespmem:s7+$0x6030]  }
0xa9: {  	[tilespmem:s7+$0x12870] =	vst.add.f32.msk $0xffff, v0  }
0xaa: {  	v0 =	vld [tilespmem:s7+$0x6040]  }
0xab: {  	v5 =	vld [tilespmem:s7+$0x6050]  }
0xac: {  	v6 =	vld [tilespmem:s7+$0x6060]  }
0xad: {  	[tilespmem:s7+$0x12800] =	vst.add.f32.msk $0xffff, v1  }
0xae: {  	[tilespmem:s7+$0x12810] =	vst.add.f32.msk $0xffff, v2  }
.Ltmp3:
0xaf: {  	[tilespmem:s7+$0x12820] =	vst.add.f32.msk $0xffff, v3;
	(pc) =	sbr.rel @p0 .LBB2_9-.Ltmp3, $4  }
0xb0: {  	[tilespmem:s7+$0x12830] =	vst.add.f32.msk $0xffff, v4  }
0xb1: {  	[tilespmem:s7+$0x12840] =	vst.add.f32.msk $0xffff, v0  }
0xb2: {  	[tilespmem:s7+$0x12850] =	vst.add.f32.msk $0xffff, v5  }
0xb3: {  	[tilespmem:s7+$0x12860] =	vst.add.f32.msk $0xffff, v6;
	s7 =	sshra.s32 s9, $0x2;
	s9 =	sadd.s32 $0x200, s9  }
0xb4: {  	v0 =	vld [tilespmem:s7+$0x6070]  }
0xb5: {  	v1 =	vld [tilespmem:s7+$0x6000]  }
0xb6: {  	v2 =	vld [tilespmem:s7+$0x6010]  }
0xb7: {  	v3 =	vld [tilespmem:s7+$0x6020]  }
0xb8: {  	v4 =	vld [tilespmem:s7+$0x6030]  }
0xb9: {  	v63 =	vld [tilespmem:s7+$0x6040]  }
0xba: {  	v5 =	vld [tilespmem:s7+$0x6050]  }
0xbb: {  	v6 =	vld [tilespmem:s7+$0x6060]  }
0xbc: {  	[tilespmem:s7+$0x12870] =	vst.add.f32.msk $0xffff, v0  }
0xbd: {  	[tilespmem:s7+$0x12800] =	vst.add.f32.msk $0xffff, v1  }
0xbe: {  	[tilespmem:s7+$0x12810] =	vst.add.f32.msk $0xffff, v2  }
0xbf: {  	[tilespmem:s7+$0x12820] =	vst.add.f32.msk $0xffff, v3  }
0xc0: {  	[tilespmem:s7+$0x12830] =	vst.add.f32.msk $0xffff, v4  }
0xc1: {  	[tilespmem:s7+$0x12840] =	vst.add.f32.msk $0xffff, v63  }
0xc2: {  	[tilespmem:s7+$0x12850] =	vst.add.f32.msk $0xffff, v5  }
0xc3: {  	s22 =	sadd.s32 $0x800, s22;
	s9 =	simm.s32 $0x0;
	[tilespmem:s7+$0x12860] =	vst.add.f32.msk $0xffff, v6  }
0xc4: {  	[hbm4b:s22+s9] =	stream.linear.scatter [tilespmem:s23], [sflag:$0x5], $0x2400, $0x38;
	[tilespmem:$0x1B000] =	vst v63  }
0xc5: {  	_ =	swait.ge [sflag:s30], $0x4000  }
0xc6: {  	[sflag:s30] =	ssyncset.done $0x0  }
0xc7: {  	s7 =	simm.s32 $0x200;
	s22 =	simm.s32 $0x0;
	[sflag:s30] =	ssyncadd.s32 $0xFFFFC000  }
.LBB2_11:
0xc8: {  	p0 =	sne.s32 s7, $0xFE00;
	v0 =	vld [tilespmem:s22+$0x2070]  }
0xc9: {  	v1 =	vld [tilespmem:s22+$0x2000]  }
0xca: {  	v2 =	vld [tilespmem:s22+$0x2010]  }
0xcb: {  	v3 =	vld [tilespmem:s22+$0x2020]  }
0xcc: {  	v4 =	vld [tilespmem:s22+$0x2030]  }
0xcd: {  	[tilespmem:s22+$0x14C70] =	vst.add.f32.msk $0xffff, v0  }
0xce: {  	v0 =	vld [tilespmem:s22+$0x2040]  }
0xcf: {  	v5 =	vld [tilespmem:s22+$0x2050]  }
0xd0: {  	v6 =	vld [tilespmem:s22+$0x2060]  }
0xd1: {  	[tilespmem:s22+$0x14C00] =	vst.add.f32.msk $0xffff, v1  }
0xd2: {  	[tilespmem:s22+$0x14C10] =	vst.add.f32.msk $0xffff, v2  }
.Ltmp4:
0xd3: {  	[tilespmem:s22+$0x14C20] =	vst.add.f32.msk $0xffff, v3;
	(pc) =	sbr.rel @p0 .LBB2_11-.Ltmp4, $4  }
0xd4: {  	[tilespmem:s22+$0x14C30] =	vst.add.f32.msk $0xffff, v4  }
0xd5: {  	[tilespmem:s22+$0x14C40] =	vst.add.f32.msk $0xffff, v0  }
0xd6: {  	[tilespmem:s22+$0x14C50] =	vst.add.f32.msk $0xffff, v5  }
0xd7: {  	[tilespmem:s22+$0x14C60] =	vst.add.f32.msk $0xffff, v6;
	s22 =	sshra.s32 s7, $0x2;
	s7 =	sadd.s32 $0x200, s7  }
0xd8: {  	v0 =	vld [tilespmem:s22+$0x2070]  }
0xd9: {  	v1 =	vld [tilespmem:s22+$0x2000]  }
0xda: {  	v2 =	vld [tilespmem:s22+$0x2010]  }
0xdb: {  	v3 =	vld [tilespmem:s22+$0x2020]  }
0xdc: {  	v4 =	vld [tilespmem:s22+$0x2030]  }
0xdd: {  	v63 =	vld [tilespmem:s22+$0x2040]  }
0xde: {  	v5 =	vld [tilespmem:s22+$0x2050]  }
0xdf: {  	v6 =	vld [tilespmem:s22+$0x2060]  }
0xe0: {  	[tilespmem:s22+$0x14C70] =	vst.add.f32.msk $0xffff, v0  }
0xe1: {  	[tilespmem:s22+$0x14C00] =	vst.add.f32.msk $0xffff, v1  }
0xe2: {  	[tilespmem:s22+$0x14C10] =	vst.add.f32.msk $0xffff, v2  }
0xe3: {  	s7 =	sadd.s32 s6, s19;
	[tilespmem:s22+$0x14C20] =	vst.add.f32.msk $0xffff, v3  }
0xe4: {  	s7 =	smul.u32 $0x6400, s7;
	[tilespmem:s22+$0x14C30] =	vst.add.f32.msk $0xffff, v4  }
0xe5: {  	[tilespmem:s22+$0x14C40] =	vst.add.f32.msk $0xffff, v63  }
0xe6: {  	s7 =	sshrl.u32 s7, $0x3;
	[tilespmem:s22+$0x14C50] =	vst.add.f32.msk $0xffff, v5  }
0xe7: {  	s10 =	simm.s32 $0x0;
	s19 =	sadd.s32 s4, s7;
	[tilespmem:s22+$0x14C60] =	vst.add.f32.msk $0xffff, v6  }
0xe8: {  	[hbm4b:s19+s10] =	stream.linear.scatter [tilespmem:s25], [sflag:$0x6], $0x4000, $0x38;
	[tilespmem:$0x1B000] =	vst v63  }
0xe9: {  	_ =	swait.ge [sflag:s31], $0x4000  }
0xea: {  	[sflag:s31] =	ssyncset.done $0x0  }
0xeb: {  	s22 =	sadd.s32 $0x4, s15;
	[sflag:s31] =	ssyncadd.s32 $0xFFFFC000  }
0xec: {  	s9 =	sshll.u32 s22, $0x8;
	s7 =	sshll.u32 s22, $0x7;
	_ =	swait.ge [sflag:s31], $0x2400  }
0xed: {  	s9 =	sand.u32 $0x7800, s9;
	s7 =	sand.u32 $0x380, s7;
	[sflag:s31] =	ssyncset.done $0x0  }
0xee: {  	s7 =	sor.u32 s7, s9;
	[sflag:s31] =	ssyncadd.s32 $0xFFFFDC00  }
0xef: {  	[tilespmem:s21], [sflag:$0x2] =	stream.indirect.gather [hbm4b:s1+s16], $0x80, s7, s16, $0xb8;
	[tilespmem:$0x1B000] =	vst v63  }
0xf0: {  	s7 =	sor.u32 $0x400, s7  }
0xf1: {  	[tilespmem:s23], [sflag:$0x2] =	stream.indirect.gather [hbm4b:s1+s18], $0x80, s7, s18, $0xb8;
	[tilespmem:$0x1B000] =	vst v63  }
0xf2: {  	_ =	swait.ge [sflag:s30], $0x2400  }
0xf3: {  	[sflag:s30] =	ssyncset.done $0x0  }
0xf4: {  	s9 =	simm.s32 $0x200;
	s7 =	simm.s32 $0x0;
	[sflag:s30] =	ssyncadd.s32 $0xFFFFDC00  }
.LBB2_13:
0xf5: {  	p0 =	sne.s32 s9, $0x8E00;
	v0 =	vld [tilespmem:s7+$0x6070]  }
0xf6: {  	v1 =	vld [tilespmem:s7+$0x6000]  }
0xf7: {  	v2 =	vld [tilespmem:s7+$0x6010]  }
0xf8: {  	v3 =	vld [tilespmem:s7+$0x6020]  }
0xf9: {  	v4 =	vld [tilespmem:s7+$0x6030]  }
0xfa: {  	[tilespmem:s7+$0x18C70] =	vst.add.f32.msk $0xffff, v0  }
0xfb: {  	v0 =	vld [tilespmem:s7+$0x6040]  }
0xfc: {  	v5 =	vld [tilespmem:s7+$0x6050]  }
0xfd: {  	v6 =	vld [tilespmem:s7+$0x6060]  }
0xfe: {  	[tilespmem:s7+$0x18C00] =	vst.add.f32.msk $0xffff, v1  }
0xff: {  	[tilespmem:s7+$0x18C10] =	vst.add.f32.msk $0xffff, v2  }
.Ltmp5:
0x100: {  	[tilespmem:s7+$0x18C20] =	vst.add.f32.msk $0xffff, v3;
	(pc) =	sbr.rel @p0 .LBB2_13-.Ltmp5, $4  }
0x101: {  	[tilespmem:s7+$0x18C30] =	vst.add.f32.msk $0xffff, v4  }
0x102: {  	[tilespmem:s7+$0x18C40] =	vst.add.f32.msk $0xffff, v0  }
0x103: {  	[tilespmem:s7+$0x18C50] =	vst.add.f32.msk $0xffff, v5  }
0x104: {  	[tilespmem:s7+$0x18C60] =	vst.add.f32.msk $0xffff, v6;
	s7 =	sshra.s32 s9, $0x2;
	s9 =	sadd.s32 $0x200, s9  }
0x105: {  	v0 =	vld [tilespmem:s7+$0x6070]  }
0x106: {  	v1 =	vld [tilespmem:s7+$0x6000]  }
0x107: {  	v2 =	vld [tilespmem:s7+$0x6010]  }
0x108: {  	v3 =	vld [tilespmem:s7+$0x6020]  }
0x109: {  	v4 =	vld [tilespmem:s7+$0x6030]  }
0x10a: {  	v63 =	vld [tilespmem:s7+$0x6040]  }
0x10b: {  	v5 =	vld [tilespmem:s7+$0x6050]  }
0x10c: {  	v6 =	vld [tilespmem:s7+$0x6060]  }
0x10d: {  	[tilespmem:s7+$0x18C70] =	vst.add.f32.msk $0xffff, v0  }
0x10e: {  	[tilespmem:s7+$0x18C00] =	vst.add.f32.msk $0xffff, v1  }
0x10f: {  	s3 =	sadd.s32 $0x1, s3;
	[tilespmem:s7+$0x18C10] =	vst.add.f32.msk $0xffff, v2  }
0x110: {  	p0 =	sne.s32 s3, $0xA;
	[tilespmem:s7+$0x18C20] =	vst.add.f32.msk $0xffff, v3  }
.Ltmp6:
0x111: {  	[tilespmem:s7+$0x18C30] =	vst.add.f32.msk $0xffff, v4;
	(pc) =	sbr.rel @p0 .LBB2_2-.Ltmp6, $4  }
0x112: {  	[tilespmem:s7+$0x18C40] =	vst.add.f32.msk $0xffff, v63  }
0x113: {  	[tilespmem:s7+$0x18C50] =	vst.add.f32.msk $0xffff, v5  }
0x114: {  	s22 =	sadd.s32 $0x800, s19;
	[tilespmem:s7+$0x18C60] =	vst.add.f32.msk $0xffff, v6  }
0x115: {  	[hbm4b:s22+s5] =	stream.linear.scatter [tilespmem:s26], [sflag:$0x6], $0x2400, $0x38;
	[tilespmem:$0x1B000] =	vst v63  }
0x116: {  	_ =	swait.ge [sflag:s24], $0x4000  }
0x117: {  	[sflag:s24] =	ssyncset.done $0x0  }
0x118: {  	s3 =	simm.s32 $0x0;
	s7 =	simm.s32 $0x200;
	[sflag:s24] =	ssyncadd.s32 $0xFFFFC000  }
.LBB2_16:
0x119: {  	p0 =	sne.s32 s7, $0xFE00;
	v0 =	vld [tilespmem:s3+$0x2070]  }
0x11a: {  	v1 =	vld [tilespmem:s3+$0x2000]  }
0x11b: {  	v2 =	vld [tilespmem:s3+$0x2010]  }
0x11c: {  	v3 =	vld [tilespmem:s3+$0x2020]  }
0x11d: {  	v4 =	vld [tilespmem:s3+$0x2030]  }
0x11e: {  	[tilespmem:s3+$0x8470] =	vst.add.f32.msk $0xffff, v0  }
0x11f: {  	v0 =	vld [tilespmem:s3+$0x2040]  }
0x120: {  	v5 =	vld [tilespmem:s3+$0x2050]  }
0x121: {  	v6 =	vld [tilespmem:s3+$0x2060]  }
0x122: {  	[tilespmem:s3+$0x8400] =	vst.add.f32.msk $0xffff, v1  }
0x123: {  	[tilespmem:s3+$0x8410] =	vst.add.f32.msk $0xffff, v2  }
.Ltmp7:
0x124: {  	[tilespmem:s3+$0x8420] =	vst.add.f32.msk $0xffff, v3;
	(pc) =	sbr.rel @p0 .LBB2_16-.Ltmp7, $4  }
0x125: {  	[tilespmem:s3+$0x8430] =	vst.add.f32.msk $0xffff, v4  }
0x126: {  	[tilespmem:s3+$0x8440] =	vst.add.f32.msk $0xffff, v0  }
0x127: {  	[tilespmem:s3+$0x8450] =	vst.add.f32.msk $0xffff, v5  }
0x128: {  	[tilespmem:s3+$0x8460] =	vst.add.f32.msk $0xffff, v6;
	s3 =	sshra.s32 s7, $0x2;
	s7 =	sadd.s32 $0x200, s7  }
0x129: {  	v0 =	vld [tilespmem:s3+$0x2070]  }
0x12a: {  	v1 =	vld [tilespmem:s3+$0x2000]  }
0x12b: {  	v2 =	vld [tilespmem:s3+$0x2010]  }
0x12c: {  	v3 =	vld [tilespmem:s3+$0x2020]  }
0x12d: {  	v4 =	vld [tilespmem:s3+$0x2030]  }
0x12e: {  	v63 =	vld [tilespmem:s3+$0x2040]  }
0x12f: {  	v5 =	vld [tilespmem:s3+$0x2050]  }
0x130: {  	v6 =	vld [tilespmem:s3+$0x2060]  }
0x131: {  	[tilespmem:s3+$0x8470] =	vst.add.f32.msk $0xffff, v0  }
0x132: {  	[tilespmem:s3+$0x8400] =	vst.add.f32.msk $0xffff, v1  }
0x133: {  	[tilespmem:s3+$0x8410] =	vst.add.f32.msk $0xffff, v2  }
0x134: {  	[tilespmem:s3+$0x8420] =	vst.add.f32.msk $0xffff, v3  }
0x135: {  	[tilespmem:s3+$0x8430] =	vst.add.f32.msk $0xffff, v4  }
0x136: {  	[tilespmem:s3+$0x8440] =	vst.add.f32.msk $0xffff, v63  }
0x137: {  	[tilespmem:s3+$0x8450] =	vst.add.f32.msk $0xffff, v5  }
0x138: {  	s22 =	simm.s32 $0x0;
	s7 =	rddreg [dreg:$0x6];
	[tilespmem:s3+$0x8460] =	vst.add.f32.msk $0xffff, v6  }
0x139: {  	[hbm4b:s7+s22] =	stream.linear.scatter [tilespmem:s17], [sflag:$0x4], $0x4000, $0x38;
	[tilespmem:$0x1B000] =	vst v63  }
0x13a: {  	_ =	swait.ge [sflag:s2], $0x4000  }
0x13b: {  	[sflag:s2] =	ssyncset.done $0x0  }
0x13c: {  	[sflag:s2] =	ssyncadd.s32 $0xFFFFC000  }
0x13d: {  	_ =	swait.ge [sflag:s2], $0x2400  }
0x13e: {  	[sflag:s2] =	ssyncset.done $0x0  }
0x13f: {  	[sflag:s2] =	ssyncadd.s32 $0xFFFFDC00  }
0x140: {  	_ =	swait.ge [sflag:s24], $0x2400  }
0x141: {  	[sflag:s24] =	ssyncset.done $0x0  }
0x142: {  	s3 =	simm.s32 $0x0;
	s7 =	simm.s32 $0x200;
	[sflag:s24] =	ssyncadd.s32 $0xFFFFDC00  }
.LBB2_18:
0x143: {  	p0 =	sne.s32 s7, $0x8E00;
	v0 =	vld [tilespmem:s3+$0x6070]  }
0x144: {  	v1 =	vld [tilespmem:s3+$0x6000]  }
0x145: {  	v2 =	vld [tilespmem:s3+$0x6010]  }
0x146: {  	v3 =	vld [tilespmem:s3+$0x6020]  }
0x147: {  	v4 =	vld [tilespmem:s3+$0x6030]  }
0x148: {  	[tilespmem:s3+$0xC470] =	vst.add.f32.msk $0xffff, v0  }
0x149: {  	v0 =	vld [tilespmem:s3+$0x6040]  }
0x14a: {  	v5 =	vld [tilespmem:s3+$0x6050]  }
0x14b: {  	v6 =	vld [tilespmem:s3+$0x6060]  }
0x14c: {  	[tilespmem:s3+$0xC400] =	vst.add.f32.msk $0xffff, v1  }
0x14d: {  	[tilespmem:s3+$0xC410] =	vst.add.f32.msk $0xffff, v2  }
.Ltmp8:
0x14e: {  	[tilespmem:s3+$0xC420] =	vst.add.f32.msk $0xffff, v3;
	(pc) =	sbr.rel @p0 .LBB2_18-.Ltmp8, $4  }
0x14f: {  	[tilespmem:s3+$0xC430] =	vst.add.f32.msk $0xffff, v4  }
0x150: {  	[tilespmem:s3+$0xC440] =	vst.add.f32.msk $0xffff, v0  }
0x151: {  	[tilespmem:s3+$0xC450] =	vst.add.f32.msk $0xffff, v5  }
0x152: {  	[tilespmem:s3+$0xC460] =	vst.add.f32.msk $0xffff, v6;
	s3 =	sshra.s32 s7, $0x2;
	s7 =	sadd.s32 $0x200, s7  }
0x153: {  	v0 =	vld [tilespmem:s3+$0x6070]  }
0x154: {  	v1 =	vld [tilespmem:s3+$0x6000]  }
0x155: {  	v2 =	vld [tilespmem:s3+$0x6010]  }
0x156: {  	v3 =	vld [tilespmem:s3+$0x6020]  }
0x157: {  	v4 =	vld [tilespmem:s3+$0x6030]  }
0x158: {  	v63 =	vld [tilespmem:s3+$0x6040]  }
0x159: {  	v5 =	vld [tilespmem:s3+$0x6050]  }
0x15a: {  	v6 =	vld [tilespmem:s3+$0x6060]  }
0x15b: {  	[tilespmem:s3+$0xC470] =	vst.add.f32.msk $0xffff, v0  }
0x15c: {  	[tilespmem:s3+$0xC400] =	vst.add.f32.msk $0xffff, v1  }
0x15d: {  	[tilespmem:s3+$0xC410] =	vst.add.f32.msk $0xffff, v2  }
0x15e: {  	[tilespmem:s3+$0xC420] =	vst.add.f32.msk $0xffff, v3  }
0x15f: {  	[tilespmem:s3+$0xC430] =	vst.add.f32.msk $0xffff, v4  }
0x160: {  	[tilespmem:s3+$0xC440] =	vst.add.f32.msk $0xffff, v63  }
0x161: {  	[tilespmem:s3+$0xC450] =	vst.add.f32.msk $0xffff, v5  }
0x162: {  	s22 =	simm.s32 $0x0;
	s7 =	rddreg [dreg:$0x7];
	[tilespmem:s3+$0xC460] =	vst.add.f32.msk $0xffff, v6  }
0x163: {  	[hbm4b:s7+s22] =	stream.linear.scatter [tilespmem:s20], [sflag:$0x4], $0x2400, $0x38;
	[tilespmem:$0x1B000] =	vst v63  }
0x164: {  	_ =	swait.ge [sflag:s28], $0x4000  }
0x165: {  	[sflag:s28] =	ssyncset.done $0x0  }
0x166: {  	s3 =	simm.s32 $0x0;
	s7 =	simm.s32 $0x200;
	[sflag:s28] =	ssyncadd.s32 $0xFFFFC000  }
.LBB2_20:
0x167: {  	p0 =	sne.s32 s7, $0xFE00;
	v0 =	vld [tilespmem:s3+$0x2070]  }
0x168: {  	v1 =	vld [tilespmem:s3+$0x2000]  }
0x169: {  	v2 =	vld [tilespmem:s3+$0x2010]  }
0x16a: {  	v3 =	vld [tilespmem:s3+$0x2020]  }
0x16b: {  	v4 =	vld [tilespmem:s3+$0x2030]  }
0x16c: {  	[tilespmem:s3+$0xE870] =	vst.add.f32.msk $0xffff, v0  }
0x16d: {  	v0 =	vld [tilespmem:s3+$0x2040]  }
0x16e: {  	v5 =	vld [tilespmem:s3+$0x2050]  }
0x16f: {  	v6 =	vld [tilespmem:s3+$0x2060]  }
0x170: {  	[tilespmem:s3+$0xE800] =	vst.add.f32.msk $0xffff, v1  }
0x171: {  	[tilespmem:s3+$0xE810] =	vst.add.f32.msk $0xffff, v2  }
.Ltmp9:
0x172: {  	[tilespmem:s3+$0xE820] =	vst.add.f32.msk $0xffff, v3;
	(pc) =	sbr.rel @p0 .LBB2_20-.Ltmp9, $4  }
0x173: {  	[tilespmem:s3+$0xE830] =	vst.add.f32.msk $0xffff, v4  }
0x174: {  	[tilespmem:s3+$0xE840] =	vst.add.f32.msk $0xffff, v0  }
0x175: {  	[tilespmem:s3+$0xE850] =	vst.add.f32.msk $0xffff, v5  }
0x176: {  	[tilespmem:s3+$0xE860] =	vst.add.f32.msk $0xffff, v6;
	s3 =	sshra.s32 s7, $0x2;
	s7 =	sadd.s32 $0x200, s7  }
0x177: {  	v0 =	vld [tilespmem:s3+$0x2070]  }
0x178: {  	v1 =	vld [tilespmem:s3+$0x2000]  }
0x179: {  	v2 =	vld [tilespmem:s3+$0x2010]  }
0x17a: {  	v3 =	vld [tilespmem:s3+$0x2020]  }
0x17b: {  	v4 =	vld [tilespmem:s3+$0x2030]  }
0x17c: {  	v63 =	vld [tilespmem:s3+$0x2040]  }
0x17d: {  	v5 =	vld [tilespmem:s3+$0x2050]  }
0x17e: {  	v6 =	vld [tilespmem:s3+$0x2060]  }
0x17f: {  	[tilespmem:s3+$0xE870] =	vst.add.f32.msk $0xffff, v0  }
0x180: {  	[tilespmem:s3+$0xE800] =	vst.add.f32.msk $0xffff, v1  }
0x181: {  	[tilespmem:s3+$0xE810] =	vst.add.f32.msk $0xffff, v2  }
0x182: {  	[tilespmem:s3+$0xE820] =	vst.add.f32.msk $0xffff, v3  }
0x183: {  	[tilespmem:s3+$0xE830] =	vst.add.f32.msk $0xffff, v4  }
0x184: {  	[tilespmem:s3+$0xE840] =	vst.add.f32.msk $0xffff, v63  }
0x185: {  	[tilespmem:s3+$0xE850] =	vst.add.f32.msk $0xffff, v5  }
0x186: {  	s22 =	simm.s32 $0x0;
	[tilespmem:s3+$0xE860] =	vst.add.f32.msk $0xffff, v6  }
0x187: {  	[hbm4b:s11+s22] =	stream.linear.scatter [tilespmem:s21], [sflag:$0x5], $0x4000, $0x38;
	[tilespmem:$0x1B000] =	vst v63  }
0x188: {  	_ =	swait.ge [sflag:s29], $0x4000  }
0x189: {  	[sflag:s29] =	ssyncset.done $0x0  }
0x18a: {  	[sflag:s29] =	ssyncadd.s32 $0xFFFFC000  }
0x18b: {  	_ =	swait.ge [sflag:s29], $0x2400  }
0x18c: {  	[sflag:s29] =	ssyncset.done $0x0  }
0x18d: {  	[sflag:s29] =	ssyncadd.s32 $0xFFFFDC00  }
0x18e: {  	_ =	swait.ge [sflag:s28], $0x2400  }
0x18f: {  	[sflag:s28] =	ssyncset.done $0x0  }
0x190: {  	s7 =	simm.s32 $0x200;
	s3 =	simm.s32 $0x0;
	[sflag:s28] =	ssyncadd.s32 $0xFFFFDC00  }
.LBB2_22:
0x191: {  	p0 =	sne.s32 s7, $0x8E00;
	v0 =	vld [tilespmem:s3+$0x6070]  }
0x192: {  	v1 =	vld [tilespmem:s3+$0x6000]  }
0x193: {  	v2 =	vld [tilespmem:s3+$0x6010]  }
0x194: {  	v3 =	vld [tilespmem:s3+$0x6020]  }
0x195: {  	v4 =	vld [tilespmem:s3+$0x6030]  }
0x196: {  	[tilespmem:s3+$0x12870] =	vst.add.f32.msk $0xffff, v0  }
0x197: {  	v0 =	vld [tilespmem:s3+$0x6040]  }
0x198: {  	v5 =	vld [tilespmem:s3+$0x6050]  }
0x199: {  	v6 =	vld [tilespmem:s3+$0x6060]  }
0x19a: {  	[tilespmem:s3+$0x12800] =	vst.add.f32.msk $0xffff, v1  }
0x19b: {  	[tilespmem:s3+$0x12810] =	vst.add.f32.msk $0xffff, v2  }
.Ltmp10:
0x19c: {  	[tilespmem:s3+$0x12820] =	vst.add.f32.msk $0xffff, v3;
	(pc) =	sbr.rel @p0 .LBB2_22-.Ltmp10, $4  }
0x19d: {  	[tilespmem:s3+$0x12830] =	vst.add.f32.msk $0xffff, v4  }
0x19e: {  	[tilespmem:s3+$0x12840] =	vst.add.f32.msk $0xffff, v0  }
0x19f: {  	[tilespmem:s3+$0x12850] =	vst.add.f32.msk $0xffff, v5  }
0x1a0: {  	[tilespmem:s3+$0x12860] =	vst.add.f32.msk $0xffff, v6;
	s3 =	sshra.s32 s7, $0x2;
	s7 =	sadd.s32 $0x200, s7  }
0x1a1: {  	v0 =	vld [tilespmem:s3+$0x6070]  }
0x1a2: {  	v1 =	vld [tilespmem:s3+$0x6000]  }
0x1a3: {  	v2 =	vld [tilespmem:s3+$0x6010]  }
0x1a4: {  	v3 =	vld [tilespmem:s3+$0x6020]  }
0x1a5: {  	v4 =	vld [tilespmem:s3+$0x6030]  }
0x1a6: {  	v63 =	vld [tilespmem:s3+$0x6040]  }
0x1a7: {  	v5 =	vld [tilespmem:s3+$0x6050]  }
0x1a8: {  	v6 =	vld [tilespmem:s3+$0x6060]  }
0x1a9: {  	[tilespmem:s3+$0x12870] =	vst.add.f32.msk $0xffff, v0  }
0x1aa: {  	[tilespmem:s3+$0x12800] =	vst.add.f32.msk $0xffff, v1  }
0x1ab: {  	[tilespmem:s3+$0x12810] =	vst.add.f32.msk $0xffff, v2  }
0x1ac: {  	[tilespmem:s3+$0x12820] =	vst.add.f32.msk $0xffff, v3  }
0x1ad: {  	[tilespmem:s3+$0x12830] =	vst.add.f32.msk $0xffff, v4  }
0x1ae: {  	[tilespmem:s3+$0x12840] =	vst.add.f32.msk $0xffff, v63  }
0x1af: {  	[tilespmem:s3+$0x12850] =	vst.add.f32.msk $0xffff, v5  }
0x1b0: {  	s0 =	sadd.s32 $0x1, s0;
	[tilespmem:s3+$0x12860] =	vst.add.f32.msk $0xffff, v6  }
0x1b1: {  	[hbm4b:s12+s5] =	stream.linear.scatter [tilespmem:s23], [sflag:$0x5], $0x2400, $0x38;
	[tilespmem:$0x1B000] =	vst v63  }
0x1b2: {  	p0 =	sne.s32 s0, s13;
	_ =	swait.ge [sflag:s31], $0x4000  }
.Ltmp11:
0x1b3: {  	[sflag:s31] =	ssyncset.done $0x0;
	(pc) =	sbr.rel @p0 .LBB2_1-.Ltmp11, $4  }
0x1b4: {  	[sflag:s31] =	ssyncadd.s32 $0xFFFFC000  }
0x1b5: {  	_ =	swait.ge [sflag:s31], $0x2400  }
0x1b6: {  	[sflag:s31] =	ssyncset.done $0x0  }
0x1b7: {  	[sflag:s31] =	ssyncadd.s32 $0xFFFFDC00  }
0x1b8: {  	_ =	sfence.sel $0x180000  }
0x1b9: {  	[bflag:$0x0] =	sbarrier.arrive $0xFFFF  }
0x1ba: {  	_ =	strace $0x90000047  }
0x1bb: {  	s0 =	stileid.u32;
	[bflag:$0x2] =	sbarrier.arrive $0xFFFF  }
0x1bc: {  	p0 =	sne.s32 s0, $0x0;
	s0 =	rddreg [dreg:$0x4]  }
0x1bd: {  	s0 =	sadd.s32 @!p0 $0x100000, s0  }
0x1be: {  	[sflag:s0] =	ssyncadd.tile.s32 @!p0 $0x1;
	_ =	shalt  }
.Lfunc_end2:
_tile_overlayer_lowered:
.L_overlay_start_2:
0x1bf: {  	(tag) =	ssettag $0x2  }
0x1c0: {  	s0 =	rddreg [dreg:$0x0];
	s2 =	stileid.u32  }
0x1c1: {  	s1 =	rddreg [dreg:$0x1];
	p0 =	sne.s32 s2, $0x0  }
0x1c2: {  	s3 =	rddreg [dreg:$0x2];
	[bflag:$0x3] =	sbarrier.arrive $0xFFFF;
	s2 =	simm.s32 @!p0 $0x1C07  }
0x1c3: {  	[timem:s3], [sflag:s2] =	dma.local @!p0 [hbm:s0], s1  }
0x1c4: {  	s0 =	simm.s32 @!p0 $0x7  }
0x1c5: {  	_ =	swait.ge @!p0 [sflag:s0], s1  }
0x1c6: {  	s1 =	ssub.s32 @!p0 $0x0, s1;
	[sflag:s0] =	ssyncset.done @!p0 $0x0  }
0x1c7: {  	[sflag:s0] =	ssyncadd.s32 @!p0 s1  }
0x1c8: {  	[bflag:$0x3] =	sbarrier.arrive $0xFFFF  }
0x1c9: {  	_ =	shalt  }

</sc_bundles>
